<compile_context>
chip_gen: v7x
topology: tpu7x:2x2x1
jax: 0.10.2.dev20260603
libtpu: 0.0.44.dev20260713+nightly
codegen_flags: <defaults>
</compile_context>

<pallas_src>
import functools

import jax
import jax.numpy as jnp
import numpy as np
from jax import lax
from jax.experimental import pallas as pl
from jax.experimental.pallas import tpu as pltpu
from jax.experimental.pallas import tpu_sc as plsc

_NUM_SAMPLES = 2048
_LANE = 128


def _elem_list(xp, idx, n: int, p: int, s: int):
    q = idx.astype(xp.int32).reshape(s // _LANE, _LANE)
    b = (xp.arange(n, dtype=xp.int32) * _LANE)[:, None, None, None]
    c = (xp.arange(3, dtype=xp.int32) * (n * p))[None, None, :, None]
    point = ((q >> 7) * (n * _LANE) + (q & 127))[None, :, None, :]
    return (b + c + point).reshape(-1)


def _tf2x32(k0, k1, x0, x1):
    x0 = x0.astype(np.uint32).copy()
    x1 = x1.astype(np.uint32).copy()
    ks = [np.uint32(k0), np.uint32(k1),
          np.uint32(np.uint32(k0) ^ np.uint32(k1) ^ np.uint32(0x1BD11BDA))]
    rot = ((13, 15, 26, 6), (17, 29, 16, 24))
    x0 = (x0 + ks[0]).astype(np.uint32)
    x1 = (x1 + ks[1]).astype(np.uint32)
    for i in range(5):
        for r in rot[i % 2]:
            x0 = (x0 + x1).astype(np.uint32)
            x1 = ((x1 << np.uint32(r)) | (x1 >> np.uint32(32 - r))).astype(np.uint32)
            x1 = (x1 ^ x0).astype(np.uint32)
        x0 = (x0 + ks[(i + 1) % 3]).astype(np.uint32)
        x1 = (x1 + ks[(i + 2) % 3] + np.uint32(i + 1)).astype(np.uint32)
    return x0, x1


def _tf_split(kp, num=2):
    x0, x1 = _tf2x32(kp[0], kp[1], np.zeros(num, np.uint32),
                     np.arange(num, dtype=np.uint32))
    return [np.array([a, b], np.uint32) for a, b in zip(x0, x1)]


def _tf_bits(kp, n):
    x0, x1 = _tf2x32(kp[0], kp[1], np.zeros(n, np.uint32),
                     np.arange(n, dtype=np.uint32))
    return (x0 ^ x1).astype(np.uint32)


def _tf_randint(kp, n, span):
    k1, k2 = _tf_split(kp)
    hi, lo = _tf_bits(k1, n), _tf_bits(k2, n)
    span = np.uint32(span)
    mult = np.uint32((int(2 ** 16 % span) * int(2 ** 16 % span)) % span)
    return (((hi % span) * mult + (lo % span)) % span).astype(np.int32)


def _host_indices(p1: int, p2: int, s: int):
    ka, kb = _tf_split(np.array([0, 42], np.uint32))
    return _tf_randint(ka, s, p1), _tf_randint(kb, s, p2)


_N, _P = 8, 65536
_IDX1_HOST, _IDX2_HOST = _host_indices(_P, _P, _NUM_SAMPLES)
_ELEM1_HOST = np.asarray(_elem_list(np, _IDX1_HOST, _N, _P, _NUM_SAMPLES))
_ELEM2_HOST = np.asarray(_elem_list(np, _IDX2_HOST, _N, _P, _NUM_SAMPLES))


def _routing(n: int, p1: int, p2: int, s: int):
    if (n, p1, p2, s) == (_N, _P, _P, _NUM_SAMPLES):
        return _ELEM1_HOST, _ELEM2_HOST
    key = jax.random.key(42)
    ka, kb = jax.random.split(key)
    idx1 = jax.random.randint(ka, (s,), 0, p1)
    idx2 = jax.random.randint(kb, (s,), 0, p2)
    return (_elem_list(jnp, idx1, n, p1, s),
            _elem_list(jnp, idx2, n, p2, s))


def _make_sc_gather(n: int, s: int):
    info = plsc.get_sparse_core_info()
    nc, ns = info.num_cores, info.num_subcores
    nw = nc * ns
    n_tiles = n * (s // _LANE)
    assert n_tiles % nw == 0
    tpw = n_tiles // nw
    gchunk = tpw * 3 * _LANE
    out_len = n_tiles * 8 * _LANE
    zlen = 5 * _LANE

    mesh = plsc.VectorSubcoreMesh(core_axis_name="c", subcore_axis_name="s")

    @functools.partial(
        pl.kernel,
        out_type=(
            jax.ShapeDtypeStruct((out_len,), jnp.float32),
            jax.ShapeDtypeStruct((out_len,), jnp.float32),
        ),
        mesh=mesh,
        scratch_types=[
            pltpu.VMEM((gchunk,), jnp.int32),
            pltpu.VMEM((gchunk,), jnp.float32),
            pltpu.VMEM((zlen,), jnp.float32),
            pltpu.SemaphoreType.DMA,
        ],
    )
    def gather_kernel(c1_hbm, i1_hbm, c2_hbm, i2_hbm, o1_hbm, o2_hbm,
                      idx_v, vals_v, zero_v, sem):
        wid = lax.axis_index("s") * nc + lax.axis_index("c")
        gbase = wid * gchunk
        obase = wid * (tpw * 8 * _LANE)
        for k in range(zlen // 16):
            zero_v[pl.ds(k * 16, 16)] = jnp.zeros((16,), jnp.float32)
        for cf, pf, of in ((c1_hbm, i1_hbm, o1_hbm), (c2_hbm, i2_hbm, o2_hbm)):
            pltpu.sync_copy(pf.at[pl.ds(gbase, gchunk)], idx_v)
            pltpu.async_copy(cf.at[idx_v], vals_v, sem).wait()
            for t in range(tpw):
                tb = obase + t * 8 * _LANE
                pltpu.sync_copy(vals_v.at[pl.ds(t * 3 * _LANE, 3 * _LANE)],
                                of.at[pl.ds(tb, 3 * _LANE)])
                pltpu.sync_copy(zero_v, of.at[pl.ds(tb + 3 * _LANE, zlen)])

    return gather_kernel


def _chamfer_body(s1_ref, s2_ref, out_ref):
    a = s1_ref[0]
    b = s2_ref[0]
    sqa = jnp.sum(a * a, axis=0)
    sqb = jnp.sum(b * b, axis=0)
    cross2 = lax.dot_general(-2.0 * a, b, (((0,), (0,)), ((), ())),
                             preferred_element_type=jnp.float32)
    d = (cross2 + sqb[None, :]) + sqa[:, None]
    rmin = jnp.min(d, axis=1)
    cmin = jnp.min(d, axis=0)
    out_ref[pl.program_id(0)] = jnp.mean(rmin) + jnp.mean(cmin)


def _chamfer_call(x1, x2):
    n, k, s = x1.shape
    return pl.pallas_call(
        _chamfer_body,
        grid=(n,),
        in_specs=[
            pl.BlockSpec((1, k, s), lambda i: (i, 0, 0)),
            pl.BlockSpec((1, k, s), lambda i: (i, 0, 0)),
        ],
        out_specs=pl.BlockSpec((n,), lambda i: (0,),
                               memory_space=pltpu.SMEM),
        out_shape=jax.ShapeDtypeStruct((n,), jnp.float32),
    )(x1, x2)


def kernel(cloud1, cloud2, num_samples):
    del num_samples
    n, p1, _ = cloud1.shape
    p2 = cloud2.shape[1]
    s = _NUM_SAMPLES

    idx1e, idx2e = _routing(n, p1, p2, s)

    def flat_planar(cloud, p):
        return cloud.reshape(n, p // _LANE, _LANE, 3) \
                    .transpose(3, 1, 0, 2).reshape(-1)

    c1f = flat_planar(cloud1, p1)
    c2f = flat_planar(cloud2, p2)

    def planar_view(of, nb):
        return of.reshape(nb, s // _LANE, 8, _LANE) \
                 .transpose(0, 2, 1, 3).reshape(nb, 8, s)

    nsplit = 2 if n % 2 == 0 else 1
    h = n // nsplit
    gather = _make_sc_gather(h, s)
    he = idx1e.shape[0] // nsplit
    ofs = [gather(c1f, jnp.asarray(idx1e[g * he:(g + 1) * he]),
                  c2f, jnp.asarray(idx2e[g * he:(g + 1) * he]))
           for g in range(nsplit)]
    outs = [_chamfer_call(planar_view(o1, h), planar_view(o2, h))
            for o1, o2 in ofs]
    return outs[0] if nsplit == 1 else jnp.concatenate(outs)

# --- scband reference (transcript-rebuilt; emitter-appended) ---
"""Pipeline reference for scband-chamfer-loss-layer-6330781794837 (READ-ONLY COPY).

The authoritative reference and input builder live on the scoring server;
editing this copy changes nothing except your own understanding.
"""

import jax, jax.numpy as jnp
import numpy as np


def setup_inputs(seed: int = 0) -> dict:
    key = jax.random.key(seed)
    k1, k2 = jax.random.split(key)
    cloud1 = jax.random.normal(k1, (8, 65536, 3), dtype=jnp.float32)
    cloud2 = jax.random.normal(k2, (8, 65536, 3), dtype=jnp.float32)
    return {"cloud1": cloud1, "cloud2": cloud2, "num_samples": 2048}


def _chamfer(s1, s2):
    # squared-distance chamfer, as in tensorflow_graphics chamfer_distance.evaluate
    # pairwise squared distances via ||a||^2 + ||b||^2 - 2 a.b (avoids (N,S,S,3) temp)
    sq1 = jnp.sum(s1 * s1, axis=-1)  # (N, S1)
    sq2 = jnp.sum(s2 * s2, axis=-1)  # (N, S2)
    cross = jnp.einsum('nid,njd->nij', s1, s2)  # (N, S1, S2)
    d = sq1[..., :, None] + sq2[..., None, :] - 2.0 * cross  # (N, S1, S2)
    min_a_to_b = jnp.min(d, axis=-1)  # (N, S1)
    min_b_to_a = jnp.min(d, axis=-2)  # (N, S2)
    return jnp.mean(min_a_to_b, axis=-1) + jnp.mean(min_b_to_a, axis=-1)  # (N,)


def reference(cloud1, cloud2, num_samples):
    # uniform categorical subsampling of point indices (fixed key for determinism),
    # mirroring tfp.distributions.Categorical(uniform).sample(num_samples)
    key = jax.random.key(42)
    ka, kb = jax.random.split(key)
    p1 = cloud1.shape[-2]
    p2 = cloud2.shape[-2]
    _num_samples_static = 2048
    _zero = num_samples - num_samples
    idx1 = jax.random.randint(ka, (_num_samples_static,), 0, p1) + _zero
    idx2 = jax.random.randint(kb, (_num_samples_static,), 0, p2) + _zero
    # gather the sampled points along the point axis (memory-bound gather from big clouds)
    s1 = jnp.take(cloud1, idx1, axis=-2)  # (N, num_samples, 3)
    s2 = jnp.take(cloud2, idx2, axis=-2)  # (N, num_samples, 3)
    return _chamfer(s1, s2)

if __name__ == "__main__":
    import jax
    _d = setup_inputs()
    print(jax.jit(kernel)(*tuple(_d.values())))

</pallas_src>

<mosaic_0001>
#map = affine_map<(d0, d1) -> (0)>
module attributes {stable_mosaic.version = 14 : i64} {
  func.func @gather_kernel(%arg0: i32, %arg1: i32, %arg2: memref<1572864xf32, #tpu.memory_space<hbm>>, %arg3: memref<24576xi32, #tpu.memory_space<hbm>>, %arg4: memref<1572864xf32, #tpu.memory_space<hbm>>, %arg5: memref<24576xi32, #tpu.memory_space<hbm>>, %arg6: memref<65536xf32, #tpu.memory_space<hbm>>, %arg7: memref<65536xf32, #tpu.memory_space<hbm>>, %arg8: memref<768xi32, #tpu.memory_space<vmem>>, %arg9: memref<768xf32, #tpu.memory_space<vmem>>, %arg10: memref<640xf32, #tpu.memory_space<vmem>>, %arg11: memref<!tpu.dma_semaphore, #tpu.memory_space<semaphore_mem>>) attributes {dimension_semantics = [#tpu.dimension_semantics<core_parallel>, #tpu.dimension_semantics<subcore_parallel>], iteration_bounds = array<i64: 2, 16>, scalar_prefetch = 0 : i64, scratch_operands = 4 : i64, tpu.core_type = #tpu.core_type<sc_vector_subcore>, window_params = [{transform_indices = #map}, {transform_indices = #map}, {transform_indices = #map}, {transform_indices = #map}, {transform_indices = #map}, {transform_indices = #map}]} {
    %mul3A = arith.constant 2 : i32
    %mul3A_0 = arith.muli %arg1, %mul3A : i32
    %add3A = arith.addi %mul3A_0, %arg0 : i32
    %mul3A_1 = arith.constant 768 : i32
    %mul3A_2 = arith.muli %add3A, %mul3A_1 : i32
    %mul3A_3 = arith.constant 2048 : i32
    %mul3A_4 = arith.muli %add3A, %mul3A_3 : i32
    %broadcast_in_dim3A = arith.constant 0.000000e+00 : f32
    %broadcast_in_dim3A_5 = vector.broadcast %broadcast_in_dim3A : f32 to vector<16xf32>
    %swap3A = arith.constant 0 : index
    %swap3A_6 = tpu.vector_load %arg10[%swap3A] {strides = array<i32>} : memref<640xf32, #tpu.memory_space<vmem>>, vector<16xf32>,
    %swap3A_7 = vector.shape_cast %swap3A_6 : vector<16xf32> to vector<16xf32>
    %swap3A_8 = vector.shape_cast %broadcast_in_dim3A_5 : vector<16xf32> to vector<16xf32>
    tpu.vector_store %arg10[%swap3A], %swap3A_8 {strides = array<i32>} : memref<640xf32, #tpu.memory_space<vmem>>, vector<16xf32>,
    %broadcast_in_dim3A_9 = arith.constant 0.000000e+00 : f32
    %broadcast_in_dim3A_10 = vector.broadcast %broadcast_in_dim3A_9 : f32 to vector<16xf32>
    %swap3A_11 = arith.constant 16 : index
    %swap3A_12 = tpu.vector_load %arg10[%swap3A_11] {strides = array<i32>} : memref<640xf32, #tpu.memory_space<vmem>>, vector<16xf32>,
    %swap3A_13 = vector.shape_cast %swap3A_12 : vector<16xf32> to vector<16xf32>
    %swap3A_14 = vector.shape_cast %broadcast_in_dim3A_10 : vector<16xf32> to vector<16xf32>
    tpu.vector_store %arg10[%swap3A_11], %swap3A_14 {strides = array<i32>} : memref<640xf32, #tpu.memory_space<vmem>>, vector<16xf32>,
    %broadcast_in_dim3A_15 = arith.constant 0.000000e+00 : f32
    %broadcast_in_dim3A_16 = vector.broadcast %broadcast_in_dim3A_15 : f32 to vector<16xf32>
    %swap3A_17 = arith.constant 32 : index
    %swap3A_18 = tpu.vector_load %arg10[%swap3A_17] {strides = array<i32>} : memref<640xf32, #tpu.memory_space<vmem>>, vector<16xf32>,
    %swap3A_19 = vector.shape_cast %swap3A_18 : vector<16xf32> to vector<16xf32>
    %swap3A_20 = vector.shape_cast %broadcast_in_dim3A_16 : vector<16xf32> to vector<16xf32>
    tpu.vector_store %arg10[%swap3A_17], %swap3A_20 {strides = array<i32>} : memref<640xf32, #tpu.memory_space<vmem>>, vector<16xf32>,
    %broadcast_in_dim3A_21 = arith.constant 0.000000e+00 : f32
    %broadcast_in_dim3A_22 = vector.broadcast %broadcast_in_dim3A_21 : f32 to vector<16xf32>
    %swap3A_23 = arith.constant 48 : index
    %swap3A_24 = tpu.vector_load %arg10[%swap3A_23] {strides = array<i32>} : memref<640xf32, #tpu.memory_space<vmem>>, vector<16xf32>,
    %swap3A_25 = vector.shape_cast %swap3A_24 : vector<16xf32> to vector<16xf32>
    %swap3A_26 = vector.shape_cast %broadcast_in_dim3A_22 : vector<16xf32> to vector<16xf32>
    tpu.vector_store %arg10[%swap3A_23], %swap3A_26 {strides = array<i32>} : memref<640xf32, #tpu.memory_space<vmem>>, vector<16xf32>,
    %broadcast_in_dim3A_27 = arith.constant 0.000000e+00 : f32
    %broadcast_in_dim3A_28 = vector.broadcast %broadcast_in_dim3A_27 : f32 to vector<16xf32>
    %swap3A_29 = arith.constant 64 : index
    %swap3A_30 = tpu.vector_load %arg10[%swap3A_29] {strides = array<i32>} : memref<640xf32, #tpu.memory_space<vmem>>, vector<16xf32>,
    %swap3A_31 = vector.shape_cast %swap3A_30 : vector<16xf32> to vector<16xf32>
    %swap3A_32 = vector.shape_cast %broadcast_in_dim3A_28 : vector<16xf32> to vector<16xf32>
    tpu.vector_store %arg10[%swap3A_29], %swap3A_32 {strides = array<i32>} : memref<640xf32, #tpu.memory_space<vmem>>, vector<16xf32>,
    %broadcast_in_dim3A_33 = arith.constant 0.000000e+00 : f32
    %broadcast_in_dim3A_34 = vector.broadcast %broadcast_in_dim3A_33 : f32 to vector<16xf32>
    %swap3A_35 = arith.constant 80 : index
    %swap3A_36 = tpu.vector_load %arg10[%swap3A_35] {strides = array<i32>} : memref<640xf32, #tpu.memory_space<vmem>>, vector<16xf32>,
    %swap3A_37 = vector.shape_cast %swap3A_36 : vector<16xf32> to vector<16xf32>
    %swap3A_38 = vector.shape_cast %broadcast_in_dim3A_34 : vector<16xf32> to vector<16xf32>
    tpu.vector_store %arg10[%swap3A_35], %swap3A_38 {strides = array<i32>} : memref<640xf32, #tpu.memory_space<vmem>>, vector<16xf32>,
    %broadcast_in_dim3A_39 = arith.constant 0.000000e+00 : f32
    %broadcast_in_dim3A_40 = vector.broadcast %broadcast_in_dim3A_39 : f32 to vector<16xf32>
    %swap3A_41 = arith.constant 96 : index
    %swap3A_42 = tpu.vector_load %arg10[%swap3A_41] {strides = array<i32>} : memref<640xf32, #tpu.memory_space<vmem>>, vector<16xf32>,
    %swap3A_43 = vector.shape_cast %swap3A_42 : vector<16xf32> to vector<16xf32>
    %swap3A_44 = vector.shape_cast %broadcast_in_dim3A_40 : vector<16xf32> to vector<16xf32>
    tpu.vector_store %arg10[%swap3A_41], %swap3A_44 {strides = array<i32>} : memref<640xf32, #tpu.memory_space<vmem>>, vector<16xf32>,
    %broadcast_in_dim3A_45 = arith.constant 0.000000e+00 : f32
    %broadcast_in_dim3A_46 = vector.broadcast %broadcast_in_dim3A_45 : f32 to vector<16xf32>
    %swap3A_47 = arith.constant 112 : index
    %swap3A_48 = tpu.vector_load %arg10[%swap3A_47] {strides = array<i32>} : memref<640xf32, #tpu.memory_space<vmem>>, vector<16xf32>,
    %swap3A_49 = vector.shape_cast %swap3A_48 : vector<16xf32> to vector<16xf32>
    %swap3A_50 = vector.shape_cast %broadcast_in_dim3A_46 : vector<16xf32> to vector<16xf32>
    tpu.vector_store %arg10[%swap3A_47], %swap3A_50 {strides = array<i32>} : memref<640xf32, #tpu.memory_space<vmem>>, vector<16xf32>,
    %broadcast_in_dim3A_51 = arith.constant 0.000000e+00 : f32
    %broadcast_in_dim3A_52 = vector.broadcast %broadcast_in_dim3A_51 : f32 to vector<16xf32>
    %swap3A_53 = arith.constant 128 : index
    %swap3A_54 = tpu.vector_load %arg10[%swap3A_53] {strides = array<i32>} : memref<640xf32, #tpu.memory_space<vmem>>, vector<16xf32>,
    %swap3A_55 = vector.shape_cast %swap3A_54 : vector<16xf32> to vector<16xf32>
    %swap3A_56 = vector.shape_cast %broadcast_in_dim3A_52 : vector<16xf32> to vector<16xf32>
    tpu.vector_store %arg10[%swap3A_53], %swap3A_56 {strides = array<i32>} : memref<640xf32, #tpu.memory_space<vmem>>, vector<16xf32>,
    %broadcast_in_dim3A_57 = arith.constant 0.000000e+00 : f32
    %broadcast_in_dim3A_58 = vector.broadcast %broadcast_in_dim3A_57 : f32 to vector<16xf32>
    %swap3A_59 = arith.constant 144 : index
    %swap3A_60 = tpu.vector_load %arg10[%swap3A_59] {strides = array<i32>} : memref<640xf32, #tpu.memory_space<vmem>>, vector<16xf32>,
    %swap3A_61 = vector.shape_cast %swap3A_60 : vector<16xf32> to vector<16xf32>
    %swap3A_62 = vector.shape_cast %broadcast_in_dim3A_58 : vector<16xf32> to vector<16xf32>
    tpu.vector_store %arg10[%swap3A_59], %swap3A_62 {strides = array<i32>} : memref<640xf32, #tpu.memory_space<vmem>>, vector<16xf32>,
    %broadcast_in_dim3A_63 = arith.constant 0.000000e+00 : f32
    %broadcast_in_dim3A_64 = vector.broadcast %broadcast_in_dim3A_63 : f32 to vector<16xf32>
    %swap3A_65 = arith.constant 160 : index
    %swap3A_66 = tpu.vector_load %arg10[%swap3A_65] {strides = array<i32>} : memref<640xf32, #tpu.memory_space<vmem>>, vector<16xf32>,
    %swap3A_67 = vector.shape_cast %swap3A_66 : vector<16xf32> to vector<16xf32>
    %swap3A_68 = vector.shape_cast %broadcast_in_dim3A_64 : vector<16xf32> to vector<16xf32>
    tpu.vector_store %arg10[%swap3A_65], %swap3A_68 {strides = array<i32>} : memref<640xf32, #tpu.memory_space<vmem>>, vector<16xf32>,
    %broadcast_in_dim3A_69 = arith.constant 0.000000e+00 : f32
    %broadcast_in_dim3A_70 = vector.broadcast %broadcast_in_dim3A_69 : f32 to vector<16xf32>
    %swap3A_71 = arith.constant 176 : index
    %swap3A_72 = tpu.vector_load %arg10[%swap3A_71] {strides = array<i32>} : memref<640xf32, #tpu.memory_space<vmem>>, vector<16xf32>,
    %swap3A_73 = vector.shape_cast %swap3A_72 : vector<16xf32> to vector<16xf32>
    %swap3A_74 = vector.shape_cast %broadcast_in_dim3A_70 : vector<16xf32> to vector<16xf32>
    tpu.vector_store %arg10[%swap3A_71], %swap3A_74 {strides = array<i32>} : memref<640xf32, #tpu.memory_space<vmem>>, vector<16xf32>,
    %broadcast_in_dim3A_75 = arith.constant 0.000000e+00 : f32
    %broadcast_in_dim3A_76 = vector.broadcast %broadcast_in_dim3A_75 : f32 to vector<16xf32>
    %swap3A_77 = arith.constant 192 : index
    %swap3A_78 = tpu.vector_load %arg10[%swap3A_77] {strides = array<i32>} : memref<640xf32, #tpu.memory_space<vmem>>, vector<16xf32>,
    %swap3A_79 = vector.shape_cast %swap3A_78 : vector<16xf32> to vector<16xf32>
    %swap3A_80 = vector.shape_cast %broadcast_in_dim3A_76 : vector<16xf32> to vector<16xf32>
    tpu.vector_store %arg10[%swap3A_77], %swap3A_80 {strides = array<i32>} : memref<640xf32, #tpu.memory_space<vmem>>, vector<16xf32>,
    %broadcast_in_dim3A_81 = arith.constant 0.000000e+00 : f32
    %broadcast_in_dim3A_82 = vector.broadcast %broadcast_in_dim3A_81 : f32 to vector<16xf32>
    %swap3A_83 = arith.constant 208 : index
    %swap3A_84 = tpu.vector_load %arg10[%swap3A_83] {strides = array<i32>} : memref<640xf32, #tpu.memory_space<vmem>>, vector<16xf32>,
    %swap3A_85 = vector.shape_cast %swap3A_84 : vector<16xf32> to vector<16xf32>
    %swap3A_86 = vector.shape_cast %broadcast_in_dim3A_82 : vector<16xf32> to vector<16xf32>
    tpu.vector_store %arg10[%swap3A_83], %swap3A_86 {strides = array<i32>} : memref<640xf32, #tpu.memory_space<vmem>>, vector<16xf32>,
    %broadcast_in_dim3A_87 = arith.constant 0.000000e+00 : f32
    %broadcast_in_dim3A_88 = vector.broadcast %broadcast_in_dim3A_87 : f32 to vector<16xf32>
    %swap3A_89 = arith.constant 224 : index
    %swap3A_90 = tpu.vector_load %arg10[%swap3A_89] {strides = array<i32>} : memref<640xf32, #tpu.memory_space<vmem>>, vector<16xf32>,
    %swap3A_91 = vector.shape_cast %swap3A_90 : vector<16xf32> to vector<16xf32>
    %swap3A_92 = vector.shape_cast %broadcast_in_dim3A_88 : vector<16xf32> to vector<16xf32>
    tpu.vector_store %arg10[%swap3A_89], %swap3A_92 {strides = array<i32>} : memref<640xf32, #tpu.memory_space<vmem>>, vector<16xf32>,
    %broadcast_in_dim3A_93 = arith.constant 0.000000e+00 : f32
    %broadcast_in_dim3A_94 = vector.broadcast %broadcast_in_dim3A_93 : f32 to vector<16xf32>
    %swap3A_95 = arith.constant 240 : index
    %swap3A_96 = tpu.vector_load %arg10[%swap3A_95] {strides = array<i32>} : memref<640xf32, #tpu.memory_space<vmem>>, vector<16xf32>,
    %swap3A_97 = vector.shape_cast %swap3A_96 : vector<16xf32> to vector<16xf32>
    %swap3A_98 = vector.shape_cast %broadcast_in_dim3A_94 : vector<16xf32> to vector<16xf32>
    tpu.vector_store %arg10[%swap3A_95], %swap3A_98 {strides = array<i32>} : memref<640xf32, #tpu.memory_space<vmem>>, vector<16xf32>,
    %broadcast_in_dim3A_99 = arith.constant 0.000000e+00 : f32
    %broadcast_in_dim3A_100 = vector.broadcast %broadcast_in_dim3A_99 : f32 to vector<16xf32>
    %swap3A_101 = arith.constant 256 : index
    %swap3A_102 = tpu.vector_load %arg10[%swap3A_101] {strides = array<i32>} : memref<640xf32, #tpu.memory_space<vmem>>, vector<16xf32>,
    %swap3A_103 = vector.shape_cast %swap3A_102 : vector<16xf32> to vector<16xf32>
    %swap3A_104 = vector.shape_cast %broadcast_in_dim3A_100 : vector<16xf32> to vector<16xf32>
    tpu.vector_store %arg10[%swap3A_101], %swap3A_104 {strides = array<i32>} : memref<640xf32, #tpu.memory_space<vmem>>, vector<16xf32>,
    %broadcast_in_dim3A_105 = arith.constant 0.000000e+00 : f32
    %broadcast_in_dim3A_106 = vector.broadcast %broadcast_in_dim3A_105 : f32 to vector<16xf32>
    %swap3A_107 = arith.constant 272 : index
    %swap3A_108 = tpu.vector_load %arg10[%swap3A_107] {strides = array<i32>} : memref<640xf32, #tpu.memory_space<vmem>>, vector<16xf32>,
    %swap3A_109 = vector.shape_cast %swap3A_108 : vector<16xf32> to vector<16xf32>
    %swap3A_110 = vector.shape_cast %broadcast_in_dim3A_106 : vector<16xf32> to vector<16xf32>
    tpu.vector_store %arg10[%swap3A_107], %swap3A_110 {strides = array<i32>} : memref<640xf32, #tpu.memory_space<vmem>>, vector<16xf32>,
    %broadcast_in_dim3A_111 = arith.constant 0.000000e+00 : f32
    %broadcast_in_dim3A_112 = vector.broadcast %broadcast_in_dim3A_111 : f32 to vector<16xf32>
    %swap3A_113 = arith.constant 288 : index
    %swap3A_114 = tpu.vector_load %arg10[%swap3A_113] {strides = array<i32>} : memref<640xf32, #tpu.memory_space<vmem>>, vector<16xf32>,
    %swap3A_115 = vector.shape_cast %swap3A_114 : vector<16xf32> to vector<16xf32>
    %swap3A_116 = vector.shape_cast %broadcast_in_dim3A_112 : vector<16xf32> to vector<16xf32>
    tpu.vector_store %arg10[%swap3A_113], %swap3A_116 {strides = array<i32>} : memref<640xf32, #tpu.memory_space<vmem>>, vector<16xf32>,
    %broadcast_in_dim3A_117 = arith.constant 0.000000e+00 : f32
    %broadcast_in_dim3A_118 = vector.broadcast %broadcast_in_dim3A_117 : f32 to vector<16xf32>
    %swap3A_119 = arith.constant 304 : index
    %swap3A_120 = tpu.vector_load %arg10[%swap3A_119] {strides = array<i32>} : memref<640xf32, #tpu.memory_space<vmem>>, vector<16xf32>,
    %swap3A_121 = vector.shape_cast %swap3A_120 : vector<16xf32> to vector<16xf32>
    %swap3A_122 = vector.shape_cast %broadcast_in_dim3A_118 : vector<16xf32> to vector<16xf32>
    tpu.vector_store %arg10[%swap3A_119], %swap3A_122 {strides = array<i32>} : memref<640xf32, #tpu.memory_space<vmem>>, vector<16xf32>,
    %broadcast_in_dim3A_123 = arith.constant 0.000000e+00 : f32
    %broadcast_in_dim3A_124 = vector.broadcast %broadcast_in_dim3A_123 : f32 to vector<16xf32>
    %swap3A_125 = arith.constant 320 : index
    %swap3A_126 = tpu.vector_load %arg10[%swap3A_125] {strides = array<i32>} : memref<640xf32, #tpu.memory_space<vmem>>, vector<16xf32>,
    %swap3A_127 = vector.shape_cast %swap3A_126 : vector<16xf32> to vector<16xf32>
    %swap3A_128 = vector.shape_cast %broadcast_in_dim3A_124 : vector<16xf32> to vector<16xf32>
    tpu.vector_store %arg10[%swap3A_125], %swap3A_128 {strides = array<i32>} : memref<640xf32, #tpu.memory_space<vmem>>, vector<16xf32>,
    %broadcast_in_dim3A_129 = arith.constant 0.000000e+00 : f32
    %broadcast_in_dim3A_130 = vector.broadcast %broadcast_in_dim3A_129 : f32 to vector<16xf32>
    %swap3A_131 = arith.constant 336 : index
    %swap3A_132 = tpu.vector_load %arg10[%swap3A_131] {strides = array<i32>} : memref<640xf32, #tpu.memory_space<vmem>>, vector<16xf32>,
    %swap3A_133 = vector.shape_cast %swap3A_132 : vector<16xf32> to vector<16xf32>
    %swap3A_134 = vector.shape_cast %broadcast_in_dim3A_130 : vector<16xf32> to vector<16xf32>
    tpu.vector_store %arg10[%swap3A_131], %swap3A_134 {strides = array<i32>} : memref<640xf32, #tpu.memory_space<vmem>>, vector<16xf32>,
    %broadcast_in_dim3A_135 = arith.constant 0.000000e+00 : f32
    %broadcast_in_dim3A_136 = vector.broadcast %broadcast_in_dim3A_135 : f32 to vector<16xf32>
    %swap3A_137 = arith.constant 352 : index
    %swap3A_138 = tpu.vector_load %arg10[%swap3A_137] {strides = array<i32>} : memref<640xf32, #tpu.memory_space<vmem>>, vector<16xf32>,
    %swap3A_139 = vector.shape_cast %swap3A_138 : vector<16xf32> to vector<16xf32>
    %swap3A_140 = vector.shape_cast %broadcast_in_dim3A_136 : vector<16xf32> to vector<16xf32>
    tpu.vector_store %arg10[%swap3A_137], %swap3A_140 {strides = array<i32>} : memref<640xf32, #tpu.memory_space<vmem>>, vector<16xf32>,
    %broadcast_in_dim3A_141 = arith.constant 0.000000e+00 : f32
    %broadcast_in_dim3A_142 = vector.broadcast %broadcast_in_dim3A_141 : f32 to vector<16xf32>
    %swap3A_143 = arith.constant 368 : index
    %swap3A_144 = tpu.vector_load %arg10[%swap3A_143] {strides = array<i32>} : memref<640xf32, #tpu.memory_space<vmem>>, vector<16xf32>,
    %swap3A_145 = vector.shape_cast %swap3A_144 : vector<16xf32> to vector<16xf32>
    %swap3A_146 = vector.shape_cast %broadcast_in_dim3A_142 : vector<16xf32> to vector<16xf32>
    tpu.vector_store %arg10[%swap3A_143], %swap3A_146 {strides = array<i32>} : memref<640xf32, #tpu.memory_space<vmem>>, vector<16xf32>,
    %broadcast_in_dim3A_147 = arith.constant 0.000000e+00 : f32
    %broadcast_in_dim3A_148 = vector.broadcast %broadcast_in_dim3A_147 : f32 to vector<16xf32>
    %swap3A_149 = arith.constant 384 : index
    %swap3A_150 = tpu.vector_load %arg10[%swap3A_149] {strides = array<i32>} : memref<640xf32, #tpu.memory_space<vmem>>, vector<16xf32>,
    %swap3A_151 = vector.shape_cast %swap3A_150 : vector<16xf32> to vector<16xf32>
    %swap3A_152 = vector.shape_cast %broadcast_in_dim3A_148 : vector<16xf32> to vector<16xf32>
    tpu.vector_store %arg10[%swap3A_149], %swap3A_152 {strides = array<i32>} : memref<640xf32, #tpu.memory_space<vmem>>, vector<16xf32>,
    %broadcast_in_dim3A_153 = arith.constant 0.000000e+00 : f32
    %broadcast_in_dim3A_154 = vector.broadcast %broadcast_in_dim3A_153 : f32 to vector<16xf32>
    %swap3A_155 = arith.constant 400 : index
    %swap3A_156 = tpu.vector_load %arg10[%swap3A_155] {strides = array<i32>} : memref<640xf32, #tpu.memory_space<vmem>>, vector<16xf32>,
    %swap3A_157 = vector.shape_cast %swap3A_156 : vector<16xf32> to vector<16xf32>
    %swap3A_158 = vector.shape_cast %broadcast_in_dim3A_154 : vector<16xf32> to vector<16xf32>
    tpu.vector_store %arg10[%swap3A_155], %swap3A_158 {strides = array<i32>} : memref<640xf32, #tpu.memory_space<vmem>>, vector<16xf32>,
    %broadcast_in_dim3A_159 = arith.constant 0.000000e+00 : f32
    %broadcast_in_dim3A_160 = vector.broadcast %broadcast_in_dim3A_159 : f32 to vector<16xf32>
    %swap3A_161 = arith.constant 416 : index
    %swap3A_162 = tpu.vector_load %arg10[%swap3A_161] {strides = array<i32>} : memref<640xf32, #tpu.memory_space<vmem>>, vector<16xf32>,
    %swap3A_163 = vector.shape_cast %swap3A_162 : vector<16xf32> to vector<16xf32>
    %swap3A_164 = vector.shape_cast %broadcast_in_dim3A_160 : vector<16xf32> to vector<16xf32>
    tpu.vector_store %arg10[%swap3A_161], %swap3A_164 {strides = array<i32>} : memref<640xf32, #tpu.memory_space<vmem>>, vector<16xf32>,
    %broadcast_in_dim3A_165 = arith.constant 0.000000e+00 : f32
    %broadcast_in_dim3A_166 = vector.broadcast %broadcast_in_dim3A_165 : f32 to vector<16xf32>
    %swap3A_167 = arith.constant 432 : index
    %swap3A_168 = tpu.vector_load %arg10[%swap3A_167] {strides = array<i32>} : memref<640xf32, #tpu.memory_space<vmem>>, vector<16xf32>,
    %swap3A_169 = vector.shape_cast %swap3A_168 : vector<16xf32> to vector<16xf32>
    %swap3A_170 = vector.shape_cast %broadcast_in_dim3A_166 : vector<16xf32> to vector<16xf32>
    tpu.vector_store %arg10[%swap3A_167], %swap3A_170 {strides = array<i32>} : memref<640xf32, #tpu.memory_space<vmem>>, vector<16xf32>,
    %broadcast_in_dim3A_171 = arith.constant 0.000000e+00 : f32
    %broadcast_in_dim3A_172 = vector.broadcast %broadcast_in_dim3A_171 : f32 to vector<16xf32>
    %swap3A_173 = arith.constant 448 : index
    %swap3A_174 = tpu.vector_load %arg10[%swap3A_173] {strides = array<i32>} : memref<640xf32, #tpu.memory_space<vmem>>, vector<16xf32>,
    %swap3A_175 = vector.shape_cast %swap3A_174 : vector<16xf32> to vector<16xf32>
    %swap3A_176 = vector.shape_cast %broadcast_in_dim3A_172 : vector<16xf32> to vector<16xf32>
    tpu.vector_store %arg10[%swap3A_173], %swap3A_176 {strides = array<i32>} : memref<640xf32, #tpu.memory_space<vmem>>, vector<16xf32>,
    %broadcast_in_dim3A_177 = arith.constant 0.000000e+00 : f32
    %broadcast_in_dim3A_178 = vector.broadcast %broadcast_in_dim3A_177 : f32 to vector<16xf32>
    %swap3A_179 = arith.constant 464 : index
    %swap3A_180 = tpu.vector_load %arg10[%swap3A_179] {strides = array<i32>} : memref<640xf32, #tpu.memory_space<vmem>>, vector<16xf32>,
    %swap3A_181 = vector.shape_cast %swap3A_180 : vector<16xf32> to vector<16xf32>
    %swap3A_182 = vector.shape_cast %broadcast_in_dim3A_178 : vector<16xf32> to vector<16xf32>
    tpu.vector_store %arg10[%swap3A_179], %swap3A_182 {strides = array<i32>} : memref<640xf32, #tpu.memory_space<vmem>>, vector<16xf32>,
    %broadcast_in_dim3A_183 = arith.constant 0.000000e+00 : f32
    %broadcast_in_dim3A_184 = vector.broadcast %broadcast_in_dim3A_183 : f32 to vector<16xf32>
    %swap3A_185 = arith.constant 480 : index
    %swap3A_186 = tpu.vector_load %arg10[%swap3A_185] {strides = array<i32>} : memref<640xf32, #tpu.memory_space<vmem>>, vector<16xf32>,
    %swap3A_187 = vector.shape_cast %swap3A_186 : vector<16xf32> to vector<16xf32>
    %swap3A_188 = vector.shape_cast %broadcast_in_dim3A_184 : vector<16xf32> to vector<16xf32>
    tpu.vector_store %arg10[%swap3A_185], %swap3A_188 {strides = array<i32>} : memref<640xf32, #tpu.memory_space<vmem>>, vector<16xf32>,
    %broadcast_in_dim3A_189 = arith.constant 0.000000e+00 : f32
    %broadcast_in_dim3A_190 = vector.broadcast %broadcast_in_dim3A_189 : f32 to vector<16xf32>
    %swap3A_191 = arith.constant 496 : index
    %swap3A_192 = tpu.vector_load %arg10[%swap3A_191] {strides = array<i32>} : memref<640xf32, #tpu.memory_space<vmem>>, vector<16xf32>,
    %swap3A_193 = vector.shape_cast %swap3A_192 : vector<16xf32> to vector<16xf32>
    %swap3A_194 = vector.shape_cast %broadcast_in_dim3A_190 : vector<16xf32> to vector<16xf32>
    tpu.vector_store %arg10[%swap3A_191], %swap3A_194 {strides = array<i32>} : memref<640xf32, #tpu.memory_space<vmem>>, vector<16xf32>,
    %broadcast_in_dim3A_195 = arith.constant 0.000000e+00 : f32
    %broadcast_in_dim3A_196 = vector.broadcast %broadcast_in_dim3A_195 : f32 to vector<16xf32>
    %swap3A_197 = arith.constant 512 : index
    %swap3A_198 = tpu.vector_load %arg10[%swap3A_197] {strides = array<i32>} : memref<640xf32, #tpu.memory_space<vmem>>, vector<16xf32>,
    %swap3A_199 = vector.shape_cast %swap3A_198 : vector<16xf32> to vector<16xf32>
    %swap3A_200 = vector.shape_cast %broadcast_in_dim3A_196 : vector<16xf32> to vector<16xf32>
    tpu.vector_store %arg10[%swap3A_197], %swap3A_200 {strides = array<i32>} : memref<640xf32, #tpu.memory_space<vmem>>, vector<16xf32>,
    %broadcast_in_dim3A_201 = arith.constant 0.000000e+00 : f32
    %broadcast_in_dim3A_202 = vector.broadcast %broadcast_in_dim3A_201 : f32 to vector<16xf32>
    %swap3A_203 = arith.constant 528 : index
    %swap3A_204 = tpu.vector_load %arg10[%swap3A_203] {strides = array<i32>} : memref<640xf32, #tpu.memory_space<vmem>>, vector<16xf32>,
    %swap3A_205 = vector.shape_cast %swap3A_204 : vector<16xf32> to vector<16xf32>
    %swap3A_206 = vector.shape_cast %broadcast_in_dim3A_202 : vector<16xf32> to vector<16xf32>
    tpu.vector_store %arg10[%swap3A_203], %swap3A_206 {strides = array<i32>} : memref<640xf32, #tpu.memory_space<vmem>>, vector<16xf32>,
    %broadcast_in_dim3A_207 = arith.constant 0.000000e+00 : f32
    %broadcast_in_dim3A_208 = vector.broadcast %broadcast_in_dim3A_207 : f32 to vector<16xf32>
    %swap3A_209 = arith.constant 544 : index
    %swap3A_210 = tpu.vector_load %arg10[%swap3A_209] {strides = array<i32>} : memref<640xf32, #tpu.memory_space<vmem>>, vector<16xf32>,
    %swap3A_211 = vector.shape_cast %swap3A_210 : vector<16xf32> to vector<16xf32>
    %swap3A_212 = vector.shape_cast %broadcast_in_dim3A_208 : vector<16xf32> to vector<16xf32>
    tpu.vector_store %arg10[%swap3A_209], %swap3A_212 {strides = array<i32>} : memref<640xf32, #tpu.memory_space<vmem>>, vector<16xf32>,
    %broadcast_in_dim3A_213 = arith.constant 0.000000e+00 : f32
    %broadcast_in_dim3A_214 = vector.broadcast %broadcast_in_dim3A_213 : f32 to vector<16xf32>
    %swap3A_215 = arith.constant 560 : index
    %swap3A_216 = tpu.vector_load %arg10[%swap3A_215] {strides = array<i32>} : memref<640xf32, #tpu.memory_space<vmem>>, vector<16xf32>,
    %swap3A_217 = vector.shape_cast %swap3A_216 : vector<16xf32> to vector<16xf32>
    %swap3A_218 = vector.shape_cast %broadcast_in_dim3A_214 : vector<16xf32> to vector<16xf32>
    tpu.vector_store %arg10[%swap3A_215], %swap3A_218 {strides = array<i32>} : memref<640xf32, #tpu.memory_space<vmem>>, vector<16xf32>,
    %broadcast_in_dim3A_219 = arith.constant 0.000000e+00 : f32
    %broadcast_in_dim3A_220 = vector.broadcast %broadcast_in_dim3A_219 : f32 to vector<16xf32>
    %swap3A_221 = arith.constant 576 : index
    %swap3A_222 = tpu.vector_load %arg10[%swap3A_221] {strides = array<i32>} : memref<640xf32, #tpu.memory_space<vmem>>, vector<16xf32>,
    %swap3A_223 = vector.shape_cast %swap3A_222 : vector<16xf32> to vector<16xf32>
    %swap3A_224 = vector.shape_cast %broadcast_in_dim3A_220 : vector<16xf32> to vector<16xf32>
    tpu.vector_store %arg10[%swap3A_221], %swap3A_224 {strides = array<i32>} : memref<640xf32, #tpu.memory_space<vmem>>, vector<16xf32>,
    %broadcast_in_dim3A_225 = arith.constant 0.000000e+00 : f32
    %broadcast_in_dim3A_226 = vector.broadcast %broadcast_in_dim3A_225 : f32 to vector<16xf32>
    %swap3A_227 = arith.constant 592 : index
    %swap3A_228 = tpu.vector_load %arg10[%swap3A_227] {strides = array<i32>} : memref<640xf32, #tpu.memory_space<vmem>>, vector<16xf32>,
    %swap3A_229 = vector.shape_cast %swap3A_228 : vector<16xf32> to vector<16xf32>
    %swap3A_230 = vector.shape_cast %broadcast_in_dim3A_226 : vector<16xf32> to vector<16xf32>
    tpu.vector_store %arg10[%swap3A_227], %swap3A_230 {strides = array<i32>} : memref<640xf32, #tpu.memory_space<vmem>>, vector<16xf32>,
    %broadcast_in_dim3A_231 = arith.constant 0.000000e+00 : f32
    %broadcast_in_dim3A_232 = vector.broadcast %broadcast_in_dim3A_231 : f32 to vector<16xf32>
    %swap3A_233 = arith.constant 608 : index
    %swap3A_234 = tpu.vector_load %arg10[%swap3A_233] {strides = array<i32>} : memref<640xf32, #tpu.memory_space<vmem>>, vector<16xf32>,
    %swap3A_235 = vector.shape_cast %swap3A_234 : vector<16xf32> to vector<16xf32>
    %swap3A_236 = vector.shape_cast %broadcast_in_dim3A_232 : vector<16xf32> to vector<16xf32>
    tpu.vector_store %arg10[%swap3A_233], %swap3A_236 {strides = array<i32>} : memref<640xf32, #tpu.memory_space<vmem>>, vector<16xf32>,
    %broadcast_in_dim3A_237 = arith.constant 0.000000e+00 : f32
    %broadcast_in_dim3A_238 = vector.broadcast %broadcast_in_dim3A_237 : f32 to vector<16xf32>
    %swap3A_239 = arith.constant 624 : index
    %swap3A_240 = tpu.vector_load %arg10[%swap3A_239] {strides = array<i32>} : memref<640xf32, #tpu.memory_space<vmem>>, vector<16xf32>,
    %swap3A_241 = vector.shape_cast %swap3A_240 : vector<16xf32> to vector<16xf32>
    %swap3A_242 = vector.shape_cast %broadcast_in_dim3A_238 : vector<16xf32> to vector<16xf32>
    tpu.vector_store %arg10[%swap3A_239], %swap3A_242 {strides = array<i32>} : memref<640xf32, #tpu.memory_space<vmem>>, vector<16xf32>,
    "tpu.region"() ({
      %run_scoped3A = tpu.sem_alloc : memref<!tpu.dma_semaphore, #tpu.memory_space<semaphore_mem>>
      %dma_start3A_265 = tpu.memref_slice %arg3[%mul3A_2] : memref<24576xi32, #tpu.memory_space<hbm>> -> memref<768xi32, #tpu.memory_space<hbm>>
      %dma_start3A_266 = tpu.memref_slice %arg3[%mul3A_2] : memref<24576xi32, #tpu.memory_space<hbm>> -> memref<768xi32, #tpu.memory_space<hbm>>
      tpu.enqueue_dma source(%dma_start3A_266 : memref<768xi32, #tpu.memory_space<hbm>>) target(%arg8 : memref<768xi32, #tpu.memory_space<vmem>>) target_semaphore(%run_scoped3A : memref<!tpu.dma_semaphore, #tpu.memory_space<semaphore_mem>>)
      %dma_wait3A_267 = tpu.memref_slice %arg3[%mul3A_2] : memref<24576xi32, #tpu.memory_space<hbm>> -> memref<768xi32, #tpu.memory_space<hbm>>
      %dma_wait3A_268 = tpu.memref_slice %arg3[%mul3A_2] : memref<24576xi32, #tpu.memory_space<hbm>> -> memref<768xi32, #tpu.memory_space<hbm>>
      tpu.wait_dma2 semaphore(%run_scoped3A : memref<!tpu.dma_semaphore, #tpu.memory_space<semaphore_mem>>) src(%dma_wait3A_268 : memref<768xi32, #tpu.memory_space<hbm>>) dst(%arg8 : memref<768xi32, #tpu.memory_space<vmem>>)
      tpu.yield
    }) : () -> ()
    %dma_start3A = arith.constant 0 : i32
    %dma_start3A_243 = tpu.memref_slice %arg2[%dma_start3A] : memref<1572864xf32, #tpu.memory_space<hbm>> -> memref<1572864xf32, #tpu.memory_space<hbm>>
    tpu.enqueue_indirect_dma source(%dma_start3A_243 : memref<1572864xf32, #tpu.memory_space<hbm>>) target(%arg9 : memref<768xf32, #tpu.memory_space<vmem>>) offsets(%arg8 : memref<768xi32, #tpu.memory_space<vmem>>) semaphore(%arg11 : memref<!tpu.dma_semaphore, #tpu.memory_space<semaphore_mem>>)
    %dma_wait3A = arith.constant 0 : i32
    %dma_wait3A_244 = tpu.memref_slice %arg2[%dma_wait3A] : memref<1572864xf32, #tpu.memory_space<hbm>> -> memref<1572864xf32, #tpu.memory_space<hbm>>
    tpu.wait_indirect_dma semaphore(%arg11 : memref<!tpu.dma_semaphore, #tpu.memory_space<semaphore_mem>>) src(%dma_wait3A_244 : memref<1572864xf32, #tpu.memory_space<hbm>>) dst(%arg9 : memref<768xf32, #tpu.memory_space<vmem>>)
    %add3A_245 = arith.constant 0 : i32
    %add3A_246 = arith.addi %mul3A_4, %add3A_245 : i32
    "tpu.region"() ({
      %run_scoped3A = tpu.sem_alloc : memref<!tpu.dma_semaphore, #tpu.memory_space<semaphore_mem>>
      %dma_start3A_265 = arith.constant 0 : i32
      %dma_start3A_266 = tpu.memref_slice %arg9[%dma_start3A_265] : memref<768xf32, #tpu.memory_space<vmem>> -> memref<384xf32, #tpu.memory_space<vmem>>
      %dma_start3A_267 = tpu.memref_slice %arg6[%add3A_246] : memref<65536xf32, #tpu.memory_space<hbm>> -> memref<384xf32, #tpu.memory_space<hbm>>
      %dma_start3A_268 = tpu.memref_slice %arg6[%add3A_246] : memref<65536xf32, #tpu.memory_space<hbm>> -> memref<384xf32, #tpu.memory_space<hbm>>
      %dma_start3A_269 = arith.constant 0 : i32
      %dma_start3A_270 = tpu.memref_slice %arg9[%dma_start3A_269] : memref<768xf32, #tpu.memory_space<vmem>> -> memref<384xf32, #tpu.memory_space<vmem>>
      tpu.enqueue_dma source(%dma_start3A_270 : memref<384xf32, #tpu.memory_space<vmem>>) target(%dma_start3A_268 : memref<384xf32, #tpu.memory_space<hbm>>) target_semaphore(%run_scoped3A : memref<!tpu.dma_semaphore, #tpu.memory_space<semaphore_mem>>)
      %dma_wait3A_271 = arith.constant 0 : i32
      %dma_wait3A_272 = tpu.memref_slice %arg9[%dma_wait3A_271] : memref<768xf32, #tpu.memory_space<vmem>> -> memref<384xf32, #tpu.memory_space<vmem>>
      %dma_wait3A_273 = tpu.memref_slice %arg6[%add3A_246] : memref<65536xf32, #tpu.memory_space<hbm>> -> memref<384xf32, #tpu.memory_space<hbm>>
      %dma_wait3A_274 = tpu.memref_slice %arg6[%add3A_246] : memref<65536xf32, #tpu.memory_space<hbm>> -> memref<384xf32, #tpu.memory_space<hbm>>
      %dma_wait3A_275 = arith.constant 0 : i32
      %dma_wait3A_276 = tpu.memref_slice %arg9[%dma_wait3A_275] : memref<768xf32, #tpu.memory_space<vmem>> -> memref<384xf32, #tpu.memory_space<vmem>>
      tpu.wait_dma2 semaphore(%run_scoped3A : memref<!tpu.dma_semaphore, #tpu.memory_space<semaphore_mem>>) src(%dma_wait3A_276 : memref<384xf32, #tpu.memory_space<vmem>>) dst(%dma_wait3A_274 : memref<384xf32, #tpu.memory_space<hbm>>)
      tpu.yield
    }) : () -> ()
    %add3A_247 = arith.constant 384 : i32
    %add3A_248 = arith.addi %add3A_246, %add3A_247 : i32
    "tpu.region"() ({
      %run_scoped3A = tpu.sem_alloc : memref<!tpu.dma_semaphore, #tpu.memory_space<semaphore_mem>>
      %dma_start3A_265 = tpu.memref_slice %arg6[%add3A_248] : memref<65536xf32, #tpu.memory_space<hbm>> -> memref<640xf32, #tpu.memory_space<hbm>>
      %dma_start3A_266 = tpu.memref_slice %arg6[%add3A_248] : memref<65536xf32, #tpu.memory_space<hbm>> -> memref<640xf32, #tpu.memory_space<hbm>>
      tpu.enqueue_dma source(%arg10 : memref<640xf32, #tpu.memory_space<vmem>>) target(%dma_start3A_266 : memref<640xf32, #tpu.memory_space<hbm>>) target_semaphore(%run_scoped3A : memref<!tpu.dma_semaphore, #tpu.memory_space<semaphore_mem>>)
      %dma_wait3A_267 = tpu.memref_slice %arg6[%add3A_248] : memref<65536xf32, #tpu.memory_space<hbm>> -> memref<640xf32, #tpu.memory_space<hbm>>
      %dma_wait3A_268 = tpu.memref_slice %arg6[%add3A_248] : memref<65536xf32, #tpu.memory_space<hbm>> -> memref<640xf32, #tpu.memory_space<hbm>>
      tpu.wait_dma2 semaphore(%run_scoped3A : memref<!tpu.dma_semaphore, #tpu.memory_space<semaphore_mem>>) src(%arg10 : memref<640xf32, #tpu.memory_space<vmem>>) dst(%dma_wait3A_268 : memref<640xf32, #tpu.memory_space<hbm>>)
      tpu.yield
    }) : () -> ()
    %add3A_249 = arith.constant 1024 : i32
    %add3A_250 = arith.addi %mul3A_4, %add3A_249 : i32
    "tpu.region"() ({
      %run_scoped3A = tpu.sem_alloc : memref<!tpu.dma_semaphore, #tpu.memory_space<semaphore_mem>>
      %dma_start3A_265 = arith.constant 384 : i32
      %dma_start3A_266 = tpu.memref_slice %arg9[%dma_start3A_265] : memref<768xf32, #tpu.memory_space<vmem>> -> memref<384xf32, #tpu.memory_space<vmem>>
      %dma_start3A_267 = tpu.memref_slice %arg6[%add3A_250] : memref<65536xf32, #tpu.memory_space<hbm>> -> memref<384xf32, #tpu.memory_space<hbm>>
      %dma_start3A_268 = tpu.memref_slice %arg6[%add3A_250] : memref<65536xf32, #tpu.memory_space<hbm>> -> memref<384xf32, #tpu.memory_space<hbm>>
      %dma_start3A_269 = arith.constant 384 : i32
      %dma_start3A_270 = tpu.memref_slice %arg9[%dma_start3A_269] : memref<768xf32, #tpu.memory_space<vmem>> -> memref<384xf32, #tpu.memory_space<vmem>>
      tpu.enqueue_dma source(%dma_start3A_270 : memref<384xf32, #tpu.memory_space<vmem>>) target(%dma_start3A_268 : memref<384xf32, #tpu.memory_space<hbm>>) target_semaphore(%run_scoped3A : memref<!tpu.dma_semaphore, #tpu.memory_space<semaphore_mem>>)
      %dma_wait3A_271 = arith.constant 384 : i32
      %dma_wait3A_272 = tpu.memref_slice %arg9[%dma_wait3A_271] : memref<768xf32, #tpu.memory_space<vmem>> -> memref<384xf32, #tpu.memory_space<vmem>>
      %dma_wait3A_273 = tpu.memref_slice %arg6[%add3A_250] : memref<65536xf32, #tpu.memory_space<hbm>> -> memref<384xf32, #tpu.memory_space<hbm>>
      %dma_wait3A_274 = tpu.memref_slice %arg6[%add3A_250] : memref<65536xf32, #tpu.memory_space<hbm>> -> memref<384xf32, #tpu.memory_space<hbm>>
      %dma_wait3A_275 = arith.constant 384 : i32
      %dma_wait3A_276 = tpu.memref_slice %arg9[%dma_wait3A_275] : memref<768xf32, #tpu.memory_space<vmem>> -> memref<384xf32, #tpu.memory_space<vmem>>
      tpu.wait_dma2 semaphore(%run_scoped3A : memref<!tpu.dma_semaphore, #tpu.memory_space<semaphore_mem>>) src(%dma_wait3A_276 : memref<384xf32, #tpu.memory_space<vmem>>) dst(%dma_wait3A_274 : memref<384xf32, #tpu.memory_space<hbm>>)
      tpu.yield
    }) : () -> ()
    %add3A_251 = arith.constant 384 : i32
    %add3A_252 = arith.addi %add3A_250, %add3A_251 : i32
    "tpu.region"() ({
      %run_scoped3A = tpu.sem_alloc : memref<!tpu.dma_semaphore, #tpu.memory_space<semaphore_mem>>
      %dma_start3A_265 = tpu.memref_slice %arg6[%add3A_252] : memref<65536xf32, #tpu.memory_space<hbm>> -> memref<640xf32, #tpu.memory_space<hbm>>
      %dma_start3A_266 = tpu.memref_slice %arg6[%add3A_252] : memref<65536xf32, #tpu.memory_space<hbm>> -> memref<640xf32, #tpu.memory_space<hbm>>
      tpu.enqueue_dma source(%arg10 : memref<640xf32, #tpu.memory_space<vmem>>) target(%dma_start3A_266 : memref<640xf32, #tpu.memory_space<hbm>>) target_semaphore(%run_scoped3A : memref<!tpu.dma_semaphore, #tpu.memory_space<semaphore_mem>>)
      %dma_wait3A_267 = tpu.memref_slice %arg6[%add3A_252] : memref<65536xf32, #tpu.memory_space<hbm>> -> memref<640xf32, #tpu.memory_space<hbm>>
      %dma_wait3A_268 = tpu.memref_slice %arg6[%add3A_252] : memref<65536xf32, #tpu.memory_space<hbm>> -> memref<640xf32, #tpu.memory_space<hbm>>
      tpu.wait_dma2 semaphore(%run_scoped3A : memref<!tpu.dma_semaphore, #tpu.memory_space<semaphore_mem>>) src(%arg10 : memref<640xf32, #tpu.memory_space<vmem>>) dst(%dma_wait3A_268 : memref<640xf32, #tpu.memory_space<hbm>>)
      tpu.yield
    }) : () -> ()
    "tpu.region"() ({
      %run_scoped3A = tpu.sem_alloc : memref<!tpu.dma_semaphore, #tpu.memory_space<semaphore_mem>>
      %dma_start3A_265 = tpu.memref_slice %arg5[%mul3A_2] : memref<24576xi32, #tpu.memory_space<hbm>> -> memref<768xi32, #tpu.memory_space<hbm>>
      %dma_start3A_266 = tpu.memref_slice %arg5[%mul3A_2] : memref<24576xi32, #tpu.memory_space<hbm>> -> memref<768xi32, #tpu.memory_space<hbm>>
      tpu.enqueue_dma source(%dma_start3A_266 : memref<768xi32, #tpu.memory_space<hbm>>) target(%arg8 : memref<768xi32, #tpu.memory_space<vmem>>) target_semaphore(%run_scoped3A : memref<!tpu.dma_semaphore, #tpu.memory_space<semaphore_mem>>)
      %dma_wait3A_267 = tpu.memref_slice %arg5[%mul3A_2] : memref<24576xi32, #tpu.memory_space<hbm>> -> memref<768xi32, #tpu.memory_space<hbm>>
      %dma_wait3A_268 = tpu.memref_slice %arg5[%mul3A_2] : memref<24576xi32, #tpu.memory_space<hbm>> -> memref<768xi32, #tpu.memory_space<hbm>>
      tpu.wait_dma2 semaphore(%run_scoped3A : memref<!tpu.dma_semaphore, #tpu.memory_space<semaphore_mem>>) src(%dma_wait3A_268 : memref<768xi32, #tpu.memory_space<hbm>>) dst(%arg8 : memref<768xi32, #tpu.memory_space<vmem>>)
      tpu.yield
    }) : () -> ()
    %dma_start3A_253 = arith.constant 0 : i32
    %dma_start3A_254 = tpu.memref_slice %arg4[%dma_start3A_253] : memref<1572864xf32, #tpu.memory_space<hbm>> -> memref<1572864xf32, #tpu.memory_space<hbm>>
    tpu.enqueue_indirect_dma source(%dma_start3A_254 : memref<1572864xf32, #tpu.memory_space<hbm>>) target(%arg9 : memref<768xf32, #tpu.memory_space<vmem>>) offsets(%arg8 : memref<768xi32, #tpu.memory_space<vmem>>) semaphore(%arg11 : memref<!tpu.dma_semaphore, #tpu.memory_space<semaphore_mem>>)
    %dma_wait3A_255 = arith.constant 0 : i32
    %dma_wait3A_256 = tpu.memref_slice %arg4[%dma_wait3A_255] : memref<1572864xf32, #tpu.memory_space<hbm>> -> memref<1572864xf32, #tpu.memory_space<hbm>>
    tpu.wait_indirect_dma semaphore(%arg11 : memref<!tpu.dma_semaphore, #tpu.memory_space<semaphore_mem>>) src(%dma_wait3A_256 : memref<1572864xf32, #tpu.memory_space<hbm>>) dst(%arg9 : memref<768xf32, #tpu.memory_space<vmem>>)
    %add3A_257 = arith.constant 0 : i32
    %add3A_258 = arith.addi %mul3A_4, %add3A_257 : i32
    "tpu.region"() ({
      %run_scoped3A = tpu.sem_alloc : memref<!tpu.dma_semaphore, #tpu.memory_space<semaphore_mem>>
      %dma_start3A_265 = arith.constant 0 : i32
      %dma_start3A_266 = tpu.memref_slice %arg9[%dma_start3A_265] : memref<768xf32, #tpu.memory_space<vmem>> -> memref<384xf32, #tpu.memory_space<vmem>>
      %dma_start3A_267 = tpu.memref_slice %arg7[%add3A_258] : memref<65536xf32, #tpu.memory_space<hbm>> -> memref<384xf32, #tpu.memory_space<hbm>>
      %dma_start3A_268 = tpu.memref_slice %arg7[%add3A_258] : memref<65536xf32, #tpu.memory_space<hbm>> -> memref<384xf32, #tpu.memory_space<hbm>>
      %dma_start3A_269 = arith.constant 0 : i32
      %dma_start3A_270 = tpu.memref_slice %arg9[%dma_start3A_269] : memref<768xf32, #tpu.memory_space<vmem>> -> memref<384xf32, #tpu.memory_space<vmem>>
      tpu.enqueue_dma source(%dma_start3A_270 : memref<384xf32, #tpu.memory_space<vmem>>) target(%dma_start3A_268 : memref<384xf32, #tpu.memory_space<hbm>>) target_semaphore(%run_scoped3A : memref<!tpu.dma_semaphore, #tpu.memory_space<semaphore_mem>>)
      %dma_wait3A_271 = arith.constant 0 : i32
      %dma_wait3A_272 = tpu.memref_slice %arg9[%dma_wait3A_271] : memref<768xf32, #tpu.memory_space<vmem>> -> memref<384xf32, #tpu.memory_space<vmem>>
      %dma_wait3A_273 = tpu.memref_slice %arg7[%add3A_258] : memref<65536xf32, #tpu.memory_space<hbm>> -> memref<384xf32, #tpu.memory_space<hbm>>
      %dma_wait3A_274 = tpu.memref_slice %arg7[%add3A_258] : memref<65536xf32, #tpu.memory_space<hbm>> -> memref<384xf32, #tpu.memory_space<hbm>>
      %dma_wait3A_275 = arith.constant 0 : i32
      %dma_wait3A_276 = tpu.memref_slice %arg9[%dma_wait3A_275] : memref<768xf32, #tpu.memory_space<vmem>> -> memref<384xf32, #tpu.memory_space<vmem>>
      tpu.wait_dma2 semaphore(%run_scoped3A : memref<!tpu.dma_semaphore, #tpu.memory_space<semaphore_mem>>) src(%dma_wait3A_276 : memref<384xf32, #tpu.memory_space<vmem>>) dst(%dma_wait3A_274 : memref<384xf32, #tpu.memory_space<hbm>>)
      tpu.yield
    }) : () -> ()
    %add3A_259 = arith.constant 384 : i32
    %add3A_260 = arith.addi %add3A_258, %add3A_259 : i32
    "tpu.region"() ({
      %run_scoped3A = tpu.sem_alloc : memref<!tpu.dma_semaphore, #tpu.memory_space<semaphore_mem>>
      %dma_start3A_265 = tpu.memref_slice %arg7[%add3A_260] : memref<65536xf32, #tpu.memory_space<hbm>> -> memref<640xf32, #tpu.memory_space<hbm>>
      %dma_start3A_266 = tpu.memref_slice %arg7[%add3A_260] : memref<65536xf32, #tpu.memory_space<hbm>> -> memref<640xf32, #tpu.memory_space<hbm>>
      tpu.enqueue_dma source(%arg10 : memref<640xf32, #tpu.memory_space<vmem>>) target(%dma_start3A_266 : memref<640xf32, #tpu.memory_space<hbm>>) target_semaphore(%run_scoped3A : memref<!tpu.dma_semaphore, #tpu.memory_space<semaphore_mem>>)
      %dma_wait3A_267 = tpu.memref_slice %arg7[%add3A_260] : memref<65536xf32, #tpu.memory_space<hbm>> -> memref<640xf32, #tpu.memory_space<hbm>>
      %dma_wait3A_268 = tpu.memref_slice %arg7[%add3A_260] : memref<65536xf32, #tpu.memory_space<hbm>> -> memref<640xf32, #tpu.memory_space<hbm>>
      tpu.wait_dma2 semaphore(%run_scoped3A : memref<!tpu.dma_semaphore, #tpu.memory_space<semaphore_mem>>) src(%arg10 : memref<640xf32, #tpu.memory_space<vmem>>) dst(%dma_wait3A_268 : memref<640xf32, #tpu.memory_space<hbm>>)
      tpu.yield
    }) : () -> ()
    %add3A_261 = arith.constant 1024 : i32
    %add3A_262 = arith.addi %mul3A_4, %add3A_261 : i32
    "tpu.region"() ({
      %run_scoped3A = tpu.sem_alloc : memref<!tpu.dma_semaphore, #tpu.memory_space<semaphore_mem>>
      %dma_start3A_265 = arith.constant 384 : i32
      %dma_start3A_266 = tpu.memref_slice %arg9[%dma_start3A_265] : memref<768xf32, #tpu.memory_space<vmem>> -> memref<384xf32, #tpu.memory_space<vmem>>
      %dma_start3A_267 = tpu.memref_slice %arg7[%add3A_262] : memref<65536xf32, #tpu.memory_space<hbm>> -> memref<384xf32, #tpu.memory_space<hbm>>
      %dma_start3A_268 = tpu.memref_slice %arg7[%add3A_262] : memref<65536xf32, #tpu.memory_space<hbm>> -> memref<384xf32, #tpu.memory_space<hbm>>
      %dma_start3A_269 = arith.constant 384 : i32
      %dma_start3A_270 = tpu.memref_slice %arg9[%dma_start3A_269] : memref<768xf32, #tpu.memory_space<vmem>> -> memref<384xf32, #tpu.memory_space<vmem>>
      tpu.enqueue_dma source(%dma_start3A_270 : memref<384xf32, #tpu.memory_space<vmem>>) target(%dma_start3A_268 : memref<384xf32, #tpu.memory_space<hbm>>) target_semaphore(%run_scoped3A : memref<!tpu.dma_semaphore, #tpu.memory_space<semaphore_mem>>)
      %dma_wait3A_271 = arith.constant 384 : i32
      %dma_wait3A_272 = tpu.memref_slice %arg9[%dma_wait3A_271] : memref<768xf32, #tpu.memory_space<vmem>> -> memref<384xf32, #tpu.memory_space<vmem>>
      %dma_wait3A_273 = tpu.memref_slice %arg7[%add3A_262] : memref<65536xf32, #tpu.memory_space<hbm>> -> memref<384xf32, #tpu.memory_space<hbm>>
      %dma_wait3A_274 = tpu.memref_slice %arg7[%add3A_262] : memref<65536xf32, #tpu.memory_space<hbm>> -> memref<384xf32, #tpu.memory_space<hbm>>
      %dma_wait3A_275 = arith.constant 384 : i32
      %dma_wait3A_276 = tpu.memref_slice %arg9[%dma_wait3A_275] : memref<768xf32, #tpu.memory_space<vmem>> -> memref<384xf32, #tpu.memory_space<vmem>>
      tpu.wait_dma2 semaphore(%run_scoped3A : memref<!tpu.dma_semaphore, #tpu.memory_space<semaphore_mem>>) src(%dma_wait3A_276 : memref<384xf32, #tpu.memory_space<vmem>>) dst(%dma_wait3A_274 : memref<384xf32, #tpu.memory_space<hbm>>)
      tpu.yield
    }) : () -> ()
    %add3A_263 = arith.constant 384 : i32
    %add3A_264 = arith.addi %add3A_262, %add3A_263 : i32
    "tpu.region"() ({
      %run_scoped3A = tpu.sem_alloc : memref<!tpu.dma_semaphore, #tpu.memory_space<semaphore_mem>>
      %dma_start3A_265 = tpu.memref_slice %arg7[%add3A_264] : memref<65536xf32, #tpu.memory_space<hbm>> -> memref<640xf32, #tpu.memory_space<hbm>>
      %dma_start3A_266 = tpu.memref_slice %arg7[%add3A_264] : memref<65536xf32, #tpu.memory_space<hbm>> -> memref<640xf32, #tpu.memory_space<hbm>>
      tpu.enqueue_dma source(%arg10 : memref<640xf32, #tpu.memory_space<vmem>>) target(%dma_start3A_266 : memref<640xf32, #tpu.memory_space<hbm>>) target_semaphore(%run_scoped3A : memref<!tpu.dma_semaphore, #tpu.memory_space<semaphore_mem>>)
      %dma_wait3A_267 = tpu.memref_slice %arg7[%add3A_264] : memref<65536xf32, #tpu.memory_space<hbm>> -> memref<640xf32, #tpu.memory_space<hbm>>
      %dma_wait3A_268 = tpu.memref_slice %arg7[%add3A_264] : memref<65536xf32, #tpu.memory_space<hbm>> -> memref<640xf32, #tpu.memory_space<hbm>>
      tpu.wait_dma2 semaphore(%run_scoped3A : memref<!tpu.dma_semaphore, #tpu.memory_space<semaphore_mem>>) src(%arg10 : memref<640xf32, #tpu.memory_space<vmem>>) dst(%dma_wait3A_268 : memref<640xf32, #tpu.memory_space<hbm>>)
      tpu.yield
    }) : () -> ()
    return
  }
}

#map = affine_map<(d0, d1) -> (0)>
module attributes {stable_mosaic.version = 14 : i64} {
  func.func @gather_kernel(%arg0: i32, %arg1: i32, %arg2: memref<1572864xf32, #tpu.memory_space<hbm>>, %arg3: memref<24576xi32, #tpu.memory_space<hbm>>, %arg4: memref<1572864xf32, #tpu.memory_space<hbm>>, %arg5: memref<24576xi32, #tpu.memory_space<hbm>>, %arg6: memref<65536xf32, #tpu.memory_space<hbm>>, %arg7: memref<65536xf32, #tpu.memory_space<hbm>>, %arg8: memref<768xi32, #tpu.memory_space<vmem>>, %arg9: memref<768xf32, #tpu.memory_space<vmem>>, %arg10: memref<640xf32, #tpu.memory_space<vmem>>, %arg11: memref<!tpu.dma_semaphore, #tpu.memory_space<semaphore_mem>>) attributes {dimension_semantics = [#tpu.dimension_semantics<core_parallel>, #tpu.dimension_semantics<subcore_parallel>], iteration_bounds = array<i64: 2, 16>, scalar_prefetch = 0 : i64, scratch_operands = 4 : i64, tpu.core_type = #tpu.core_type<sc_vector_subcore>, window_params = [{transform_indices = #map}, {transform_indices = #map}, {transform_indices = #map}, {transform_indices = #map}, {transform_indices = #map}, {transform_indices = #map}]} {
    %mul3A = arith.constant 2 : i32
    %mul3A_0 = arith.muli %arg1, %mul3A : i32
    %add3A = arith.addi %mul3A_0, %arg0 : i32
    %mul3A_1 = arith.constant 768 : i32
    %mul3A_2 = arith.muli %add3A, %mul3A_1 : i32
    %mul3A_3 = arith.constant 2048 : i32
    %mul3A_4 = arith.muli %add3A, %mul3A_3 : i32
    %broadcast_in_dim3A = arith.constant 0.000000e+00 : f32
    %broadcast_in_dim3A_5 = vector.broadcast %broadcast_in_dim3A : f32 to vector<16xf32>
    %swap3A = arith.constant 0 : index
    %swap3A_6 = tpu.vector_load %arg10[%swap3A] {strides = array<i32>} : memref<640xf32, #tpu.memory_space<vmem>>, vector<16xf32>,
    %swap3A_7 = vector.shape_cast %swap3A_6 : vector<16xf32> to vector<16xf32>
    %swap3A_8 = vector.shape_cast %broadcast_in_dim3A_5 : vector<16xf32> to vector<16xf32>
    tpu.vector_store %arg10[%swap3A], %swap3A_8 {strides = array<i32>} : memref<640xf32, #tpu.memory_space<vmem>>, vector<16xf32>,
    %broadcast_in_dim3A_9 = arith.constant 0.000000e+00 : f32
    %broadcast_in_dim3A_10 = vector.broadcast %broadcast_in_dim3A_9 : f32 to vector<16xf32>
    %swap3A_11 = arith.constant 16 : index
    %swap3A_12 = tpu.vector_load %arg10[%swap3A_11] {strides = array<i32>} : memref<640xf32, #tpu.memory_space<vmem>>, vector<16xf32>,
    %swap3A_13 = vector.shape_cast %swap3A_12 : vector<16xf32> to vector<16xf32>
    %swap3A_14 = vector.shape_cast %broadcast_in_dim3A_10 : vector<16xf32> to vector<16xf32>
    tpu.vector_store %arg10[%swap3A_11], %swap3A_14 {strides = array<i32>} : memref<640xf32, #tpu.memory_space<vmem>>, vector<16xf32>,
    %broadcast_in_dim3A_15 = arith.constant 0.000000e+00 : f32
    %broadcast_in_dim3A_16 = vector.broadcast %broadcast_in_dim3A_15 : f32 to vector<16xf32>
    %swap3A_17 = arith.constant 32 : index
    %swap3A_18 = tpu.vector_load %arg10[%swap3A_17] {strides = array<i32>} : memref<640xf32, #tpu.memory_space<vmem>>, vector<16xf32>,
    %swap3A_19 = vector.shape_cast %swap3A_18 : vector<16xf32> to vector<16xf32>
    %swap3A_20 = vector.shape_cast %broadcast_in_dim3A_16 : vector<16xf32> to vector<16xf32>
    tpu.vector_store %arg10[%swap3A_17], %swap3A_20 {strides = array<i32>} : memref<640xf32, #tpu.memory_space<vmem>>, vector<16xf32>,
    %broadcast_in_dim3A_21 = arith.constant 0.000000e+00 : f32
    %broadcast_in_dim3A_22 = vector.broadcast %broadcast_in_dim3A_21 : f32 to vector<16xf32>
    %swap3A_23 = arith.constant 48 : index
    %swap3A_24 = tpu.vector_load %arg10[%swap3A_23] {strides = array<i32>} : memref<640xf32, #tpu.memory_space<vmem>>, vector<16xf32>,
    %swap3A_25 = vector.shape_cast %swap3A_24 : vector<16xf32> to vector<16xf32>
    %swap3A_26 = vector.shape_cast %broadcast_in_dim3A_22 : vector<16xf32> to vector<16xf32>
    tpu.vector_store %arg10[%swap3A_23], %swap3A_26 {strides = array<i32>} : memref<640xf32, #tpu.memory_space<vmem>>, vector<16xf32>,
    %broadcast_in_dim3A_27 = arith.constant 0.000000e+00 : f32
    %broadcast_in_dim3A_28 = vector.broadcast %broadcast_in_dim3A_27 : f32 to vector<16xf32>
    %swap3A_29 = arith.constant 64 : index
    %swap3A_30 = tpu.vector_load %arg10[%swap3A_29] {strides = array<i32>} : memref<640xf32, #tpu.memory_space<vmem>>, vector<16xf32>,
    %swap3A_31 = vector.shape_cast %swap3A_30 : vector<16xf32> to vector<16xf32>
    %swap3A_32 = vector.shape_cast %broadcast_in_dim3A_28 : vector<16xf32> to vector<16xf32>
    tpu.vector_store %arg10[%swap3A_29], %swap3A_32 {strides = array<i32>} : memref<640xf32, #tpu.memory_space<vmem>>, vector<16xf32>,
    %broadcast_in_dim3A_33 = arith.constant 0.000000e+00 : f32
    %broadcast_in_dim3A_34 = vector.broadcast %broadcast_in_dim3A_33 : f32 to vector<16xf32>
    %swap3A_35 = arith.constant 80 : index
    %swap3A_36 = tpu.vector_load %arg10[%swap3A_35] {strides = array<i32>} : memref<640xf32, #tpu.memory_space<vmem>>, vector<16xf32>,
    %swap3A_37 = vector.shape_cast %swap3A_36 : vector<16xf32> to vector<16xf32>
    %swap3A_38 = vector.shape_cast %broadcast_in_dim3A_34 : vector<16xf32> to vector<16xf32>
    tpu.vector_store %arg10[%swap3A_35], %swap3A_38 {strides = array<i32>} : memref<640xf32, #tpu.memory_space<vmem>>, vector<16xf32>,
    %broadcast_in_dim3A_39 = arith.constant 0.000000e+00 : f32
    %broadcast_in_dim3A_40 = vector.broadcast %broadcast_in_dim3A_39 : f32 to vector<16xf32>
    %swap3A_41 = arith.constant 96 : index
    %swap3A_42 = tpu.vector_load %arg10[%swap3A_41] {strides = array<i32>} : memref<640xf32, #tpu.memory_space<vmem>>, vector<16xf32>,
    %swap3A_43 = vector.shape_cast %swap3A_42 : vector<16xf32> to vector<16xf32>
    %swap3A_44 = vector.shape_cast %broadcast_in_dim3A_40 : vector<16xf32> to vector<16xf32>
    tpu.vector_store %arg10[%swap3A_41], %swap3A_44 {strides = array<i32>} : memref<640xf32, #tpu.memory_space<vmem>>, vector<16xf32>,
    %broadcast_in_dim3A_45 = arith.constant 0.000000e+00 : f32
    %broadcast_in_dim3A_46 = vector.broadcast %broadcast_in_dim3A_45 : f32 to vector<16xf32>
    %swap3A_47 = arith.constant 112 : index
    %swap3A_48 = tpu.vector_load %arg10[%swap3A_47] {strides = array<i32>} : memref<640xf32, #tpu.memory_space<vmem>>, vector<16xf32>,
    %swap3A_49 = vector.shape_cast %swap3A_48 : vector<16xf32> to vector<16xf32>
    %swap3A_50 = vector.shape_cast %broadcast_in_dim3A_46 : vector<16xf32> to vector<16xf32>
    tpu.vector_store %arg10[%swap3A_47], %swap3A_50 {strides = array<i32>} : memref<640xf32, #tpu.memory_space<vmem>>, vector<16xf32>,
    %broadcast_in_dim3A_51 = arith.constant 0.000000e+00 : f32
    %broadcast_in_dim3A_52 = vector.broadcast %broadcast_in_dim3A_51 : f32 to vector<16xf32>
    %swap3A_53 = arith.constant 128 : index
    %swap3A_54 = tpu.vector_load %arg10[%swap3A_53] {strides = array<i32>} : memref<640xf32, #tpu.memory_space<vmem>>, vector<16xf32>,
    %swap3A_55 = vector.shape_cast %swap3A_54 : vector<16xf32> to vector<16xf32>
    %swap3A_56 = vector.shape_cast %broadcast_in_dim3A_52 : vector<16xf32> to vector<16xf32>
    tpu.vector_store %arg10[%swap3A_53], %swap3A_56 {strides = array<i32>} : memref<640xf32, #tpu.memory_space<vmem>>, vector<16xf32>,
    %broadcast_in_dim3A_57 = arith.constant 0.000000e+00 : f32
    %broadcast_in_dim3A_58 = vector.broadcast %broadcast_in_dim3A_57 : f32 to vector<16xf32>
    %swap3A_59 = arith.constant 144 : index
    %swap3A_60 = tpu.vector_load %arg10[%swap3A_59] {strides = array<i32>} : memref<640xf32, #tpu.memory_space<vmem>>, vector<16xf32>,
    %swap3A_61 = vector.shape_cast %swap3A_60 : vector<16xf32> to vector<16xf32>
    %swap3A_62 = vector.shape_cast %broadcast_in_dim3A_58 : vector<16xf32> to vector<16xf32>
    tpu.vector_store %arg10[%swap3A_59], %swap3A_62 {strides = array<i32>} : memref<640xf32, #tpu.memory_space<vmem>>, vector<16xf32>,
    %broadcast_in_dim3A_63 = arith.constant 0.000000e+00 : f32
    %broadcast_in_dim3A_64 = vector.broadcast %broadcast_in_dim3A_63 : f32 to vector<16xf32>
    %swap3A_65 = arith.constant 160 : index
    %swap3A_66 = tpu.vector_load %arg10[%swap3A_65] {strides = array<i32>} : memref<640xf32, #tpu.memory_space<vmem>>, vector<16xf32>,
    %swap3A_67 = vector.shape_cast %swap3A_66 : vector<16xf32> to vector<16xf32>
    %swap3A_68 = vector.shape_cast %broadcast_in_dim3A_64 : vector<16xf32> to vector<16xf32>
    tpu.vector_store %arg10[%swap3A_65], %swap3A_68 {strides = array<i32>} : memref<640xf32, #tpu.memory_space<vmem>>, vector<16xf32>,
    %broadcast_in_dim3A_69 = arith.constant 0.000000e+00 : f32
    %broadcast_in_dim3A_70 = vector.broadcast %broadcast_in_dim3A_69 : f32 to vector<16xf32>
    %swap3A_71 = arith.constant 176 : index
    %swap3A_72 = tpu.vector_load %arg10[%swap3A_71] {strides = array<i32>} : memref<640xf32, #tpu.memory_space<vmem>>, vector<16xf32>,
    %swap3A_73 = vector.shape_cast %swap3A_72 : vector<16xf32> to vector<16xf32>
    %swap3A_74 = vector.shape_cast %broadcast_in_dim3A_70 : vector<16xf32> to vector<16xf32>
    tpu.vector_store %arg10[%swap3A_71], %swap3A_74 {strides = array<i32>} : memref<640xf32, #tpu.memory_space<vmem>>, vector<16xf32>,
    %broadcast_in_dim3A_75 = arith.constant 0.000000e+00 : f32
    %broadcast_in_dim3A_76 = vector.broadcast %broadcast_in_dim3A_75 : f32 to vector<16xf32>
    %swap3A_77 = arith.constant 192 : index
    %swap3A_78 = tpu.vector_load %arg10[%swap3A_77] {strides = array<i32>} : memref<640xf32, #tpu.memory_space<vmem>>, vector<16xf32>,
    %swap3A_79 = vector.shape_cast %swap3A_78 : vector<16xf32> to vector<16xf32>
    %swap3A_80 = vector.shape_cast %broadcast_in_dim3A_76 : vector<16xf32> to vector<16xf32>
    tpu.vector_store %arg10[%swap3A_77], %swap3A_80 {strides = array<i32>} : memref<640xf32, #tpu.memory_space<vmem>>, vector<16xf32>,
    %broadcast_in_dim3A_81 = arith.constant 0.000000e+00 : f32
    %broadcast_in_dim3A_82 = vector.broadcast %broadcast_in_dim3A_81 : f32 to vector<16xf32>
    %swap3A_83 = arith.constant 208 : index
    %swap3A_84 = tpu.vector_load %arg10[%swap3A_83] {strides = array<i32>} : memref<640xf32, #tpu.memory_space<vmem>>, vector<16xf32>,
    %swap3A_85 = vector.shape_cast %swap3A_84 : vector<16xf32> to vector<16xf32>
    %swap3A_86 = vector.shape_cast %broadcast_in_dim3A_82 : vector<16xf32> to vector<16xf32>
    tpu.vector_store %arg10[%swap3A_83], %swap3A_86 {strides = array<i32>} : memref<640xf32, #tpu.memory_space<vmem>>, vector<16xf32>,
    %broadcast_in_dim3A_87 = arith.constant 0.000000e+00 : f32
    %broadcast_in_dim3A_88 = vector.broadcast %broadcast_in_dim3A_87 : f32 to vector<16xf32>
    %swap3A_89 = arith.constant 224 : index
    %swap3A_90 = tpu.vector_load %arg10[%swap3A_89] {strides = array<i32>} : memref<640xf32, #tpu.memory_space<vmem>>, vector<16xf32>,
    %swap3A_91 = vector.shape_cast %swap3A_90 : vector<16xf32> to vector<16xf32>
    %swap3A_92 = vector.shape_cast %broadcast_in_dim3A_88 : vector<16xf32> to vector<16xf32>
    tpu.vector_store %arg10[%swap3A_89], %swap3A_92 {strides = array<i32>} : memref<640xf32, #tpu.memory_space<vmem>>, vector<16xf32>,
    %broadcast_in_dim3A_93 = arith.constant 0.000000e+00 : f32
    %broadcast_in_dim3A_94 = vector.broadcast %broadcast_in_dim3A_93 : f32 to vector<16xf32>
    %swap3A_95 = arith.constant 240 : index
    %swap3A_96 = tpu.vector_load %arg10[%swap3A_95] {strides = array<i32>} : memref<640xf32, #tpu.memory_space<vmem>>, vector<16xf32>,
    %swap3A_97 = vector.shape_cast %swap3A_96 : vector<16xf32> to vector<16xf32>
    %swap3A_98 = vector.shape_cast %broadcast_in_dim3A_94 : vector<16xf32> to vector<16xf32>
    tpu.vector_store %arg10[%swap3A_95], %swap3A_98 {strides = array<i32>} : memref<640xf32, #tpu.memory_space<vmem>>, vector<16xf32>,
    %broadcast_in_dim3A_99 = arith.constant 0.000000e+00 : f32
    %broadcast_in_dim3A_100 = vector.broadcast %broadcast_in_dim3A_99 : f32 to vector<16xf32>
    %swap3A_101 = arith.constant 256 : index
    %swap3A_102 = tpu.vector_load %arg10[%swap3A_101] {strides = array<i32>} : memref<640xf32, #tpu.memory_space<vmem>>, vector<16xf32>,
    %swap3A_103 = vector.shape_cast %swap3A_102 : vector<16xf32> to vector<16xf32>
    %swap3A_104 = vector.shape_cast %broadcast_in_dim3A_100 : vector<16xf32> to vector<16xf32>
    tpu.vector_store %arg10[%swap3A_101], %swap3A_104 {strides = array<i32>} : memref<640xf32, #tpu.memory_space<vmem>>, vector<16xf32>,
    %broadcast_in_dim3A_105 = arith.constant 0.000000e+00 : f32
    %broadcast_in_dim3A_106 = vector.broadcast %broadcast_in_dim3A_105 : f32 to vector<16xf32>
    %swap3A_107 = arith.constant 272 : index
    %swap3A_108 = tpu.vector_load %arg10[%swap3A_107] {strides = array<i32>} : memref<640xf32, #tpu.memory_space<vmem>>, vector<16xf32>,
    %swap3A_109 = vector.shape_cast %swap3A_108 : vector<16xf32> to vector<16xf32>
    %swap3A_110 = vector.shape_cast %broadcast_in_dim3A_106 : vector<16xf32> to vector<16xf32>
    tpu.vector_store %arg10[%swap3A_107], %swap3A_110 {strides = array<i32>} : memref<640xf32, #tpu.memory_space<vmem>>, vector<16xf32>,
    %broadcast_in_dim3A_111 = arith.constant 0.000000e+00 : f32
    %broadcast_in_dim3A_112 = vector.broadcast %broadcast_in_dim3A_111 : f32 to vector<16xf32>
    %swap3A_113 = arith.constant 288 : index
    %swap3A_114 = tpu.vector_load %arg10[%swap3A_113] {strides = array<i32>} : memref<640xf32, #tpu.memory_space<vmem>>, vector<16xf32>,
    %swap3A_115 = vector.shape_cast %swap3A_114 : vector<16xf32> to vector<16xf32>
    %swap3A_116 = vector.shape_cast %broadcast_in_dim3A_112 : vector<16xf32> to vector<16xf32>
    tpu.vector_store %arg10[%swap3A_113], %swap3A_116 {strides = array<i32>} : memref<640xf32, #tpu.memory_space<vmem>>, vector<16xf32>,
    %broadcast_in_dim3A_117 = arith.constant 0.000000e+00 : f32
    %broadcast_in_dim3A_118 = vector.broadcast %broadcast_in_dim3A_117 : f32 to vector<16xf32>
    %swap3A_119 = arith.constant 304 : index
    %swap3A_120 = tpu.vector_load %arg10[%swap3A_119] {strides = array<i32>} : memref<640xf32, #tpu.memory_space<vmem>>, vector<16xf32>,
    %swap3A_121 = vector.shape_cast %swap3A_120 : vector<16xf32> to vector<16xf32>
    %swap3A_122 = vector.shape_cast %broadcast_in_dim3A_118 : vector<16xf32> to vector<16xf32>
    tpu.vector_store %arg10[%swap3A_119], %swap3A_122 {strides = array<i32>} : memref<640xf32, #tpu.memory_space<vmem>>, vector<16xf32>,
    %broadcast_in_dim3A_123 = arith.constant 0.000000e+00 : f32
    %broadcast_in_dim3A_124 = vector.broadcast %broadcast_in_dim3A_123 : f32 to vector<16xf32>
    %swap3A_125 = arith.constant 320 : index
    %swap3A_126 = tpu.vector_load %arg10[%swap3A_125] {strides = array<i32>} : memref<640xf32, #tpu.memory_space<vmem>>, vector<16xf32>,
    %swap3A_127 = vector.shape_cast %swap3A_126 : vector<16xf32> to vector<16xf32>
    %swap3A_128 = vector.shape_cast %broadcast_in_dim3A_124 : vector<16xf32> to vector<16xf32>
    tpu.vector_store %arg10[%swap3A_125], %swap3A_128 {strides = array<i32>} : memref<640xf32, #tpu.memory_space<vmem>>, vector<16xf32>,
    %broadcast_in_dim3A_129 = arith.constant 0.000000e+00 : f32
    %broadcast_in_dim3A_130 = vector.broadcast %broadcast_in_dim3A_129 : f32 to vector<16xf32>
    %swap3A_131 = arith.constant 336 : index
    %swap3A_132 = tpu.vector_load %arg10[%swap3A_131] {strides = array<i32>} : memref<640xf32, #tpu.memory_space<vmem>>, vector<16xf32>,
    %swap3A_133 = vector.shape_cast %swap3A_132 : vector<16xf32> to vector<16xf32>
    %swap3A_134 = vector.shape_cast %broadcast_in_dim3A_130 : vector<16xf32> to vector<16xf32>
    tpu.vector_store %arg10[%swap3A_131], %swap3A_134 {strides = array<i32>} : memref<640xf32, #tpu.memory_space<vmem>>, vector<16xf32>,
    %broadcast_in_dim3A_135 = arith.constant 0.000000e+00 : f32
    %broadcast_in_dim3A_136 = vector.broadcast %broadcast_in_dim3A_135 : f32 to vector<16xf32>
    %swap3A_137 = arith.constant 352 : index
    %swap3A_138 = tpu.vector_load %arg10[%swap3A_137] {strides = array<i32>} : memref<640xf32, #tpu.memory_space<vmem>>, vector<16xf32>,
    %swap3A_139 = vector.shape_cast %swap3A_138 : vector<16xf32> to vector<16xf32>
    %swap3A_140 = vector.shape_cast %broadcast_in_dim3A_136 : vector<16xf32> to vector<16xf32>
    tpu.vector_store %arg10[%swap3A_137], %swap3A_140 {strides = array<i32>} : memref<640xf32, #tpu.memory_space<vmem>>, vector<16xf32>,
    %broadcast_in_dim3A_141 = arith.constant 0.000000e+00 : f32
    %broadcast_in_dim3A_142 = vector.broadcast %broadcast_in_dim3A_141 : f32 to vector<16xf32>
    %swap3A_143 = arith.constant 368 : index
    %swap3A_144 = tpu.vector_load %arg10[%swap3A_143] {strides = array<i32>} : memref<640xf32, #tpu.memory_space<vmem>>, vector<16xf32>,
    %swap3A_145 = vector.shape_cast %swap3A_144 : vector<16xf32> to vector<16xf32>
    %swap3A_146 = vector.shape_cast %broadcast_in_dim3A_142 : vector<16xf32> to vector<16xf32>
    tpu.vector_store %arg10[%swap3A_143], %swap3A_146 {strides = array<i32>} : memref<640xf32, #tpu.memory_space<vmem>>, vector<16xf32>,
    %broadcast_in_dim3A_147 = arith.constant 0.000000e+00 : f32
    %broadcast_in_dim3A_148 = vector.broadcast %broadcast_in_dim3A_147 : f32 to vector<16xf32>
    %swap3A_149 = arith.constant 384 : index
    %swap3A_150 = tpu.vector_load %arg10[%swap3A_149] {strides = array<i32>} : memref<640xf32, #tpu.memory_space<vmem>>, vector<16xf32>,
    %swap3A_151 = vector.shape_cast %swap3A_150 : vector<16xf32> to vector<16xf32>
    %swap3A_152 = vector.shape_cast %broadcast_in_dim3A_148 : vector<16xf32> to vector<16xf32>
    tpu.vector_store %arg10[%swap3A_149], %swap3A_152 {strides = array<i32>} : memref<640xf32, #tpu.memory_space<vmem>>, vector<16xf32>,
    %broadcast_in_dim3A_153 = arith.constant 0.000000e+00 : f32
    %broadcast_in_dim3A_154 = vector.broadcast %broadcast_in_dim3A_153 : f32 to vector<16xf32>
    %swap3A_155 = arith.constant 400 : index
    %swap3A_156 = tpu.vector_load %arg10[%swap3A_155] {strides = array<i32>} : memref<640xf32, #tpu.memory_space<vmem>>, vector<16xf32>,
    %swap3A_157 = vector.shape_cast %swap3A_156 : vector<16xf32> to vector<16xf32>
    %swap3A_158 = vector.shape_cast %broadcast_in_dim3A_154 : vector<16xf32> to vector<16xf32>
    tpu.vector_store %arg10[%swap3A_155], %swap3A_158 {strides = array<i32>} : memref<640xf32, #tpu.memory_space<vmem>>, vector<16xf32>,
    %broadcast_in_dim3A_159 = arith.constant 0.000000e+00 : f32
    %broadcast_in_dim3A_160 = vector.broadcast %broadcast_in_dim3A_159 : f32 to vector<16xf32>
    %swap3A_161 = arith.constant 416 : index
    %swap3A_162 = tpu.vector_load %arg10[%swap3A_161] {strides = array<i32>} : memref<640xf32, #tpu.memory_space<vmem>>, vector<16xf32>,
    %swap3A_163 = vector.shape_cast %swap3A_162 : vector<16xf32> to vector<16xf32>
    %swap3A_164 = vector.shape_cast %broadcast_in_dim3A_160 : vector<16xf32> to vector<16xf32>
    tpu.vector_store %arg10[%swap3A_161], %swap3A_164 {strides = array<i32>} : memref<640xf32, #tpu.memory_space<vmem>>, vector<16xf32>,
    %broadcast_in_dim3A_165 = arith.constant 0.000000e+00 : f32
    %broadcast_in_dim3A_166 = vector.broadcast %broadcast_in_dim3A_165 : f32 to vector<16xf32>
    %swap3A_167 = arith.constant 432 : index
    %swap3A_168 = tpu.vector_load %arg10[%swap3A_167] {strides = array<i32>} : memref<640xf32, #tpu.memory_space<vmem>>, vector<16xf32>,
    %swap3A_169 = vector.shape_cast %swap3A_168 : vector<16xf32> to vector<16xf32>
    %swap3A_170 = vector.shape_cast %broadcast_in_dim3A_166 : vector<16xf32> to vector<16xf32>
    tpu.vector_store %arg10[%swap3A_167], %swap3A_170 {strides = array<i32>} : memref<640xf32, #tpu.memory_space<vmem>>, vector<16xf32>,
    %broadcast_in_dim3A_171 = arith.constant 0.000000e+00 : f32
    %broadcast_in_dim3A_172 = vector.broadcast %broadcast_in_dim3A_171 : f32 to vector<16xf32>
    %swap3A_173 = arith.constant 448 : index
    %swap3A_174 = tpu.vector_load %arg10[%swap3A_173] {strides = array<i32>} : memref<640xf32, #tpu.memory_space<vmem>>, vector<16xf32>,
    %swap3A_175 = vector.shape_cast %swap3A_174 : vector<16xf32> to vector<16xf32>
    %swap3A_176 = vector.shape_cast %broadcast_in_dim3A_172 : vector<16xf32> to vector<16xf32>
    tpu.vector_store %arg10[%swap3A_173], %swap3A_176 {strides = array<i32>} : memref<640xf32, #tpu.memory_space<vmem>>, vector<16xf32>,
    %broadcast_in_dim3A_177 = arith.constant 0.000000e+00 : f32
    %broadcast_in_dim3A_178 = vector.broadcast %broadcast_in_dim3A_177 : f32 to vector<16xf32>
    %swap3A_179 = arith.constant 464 : index
    %swap3A_180 = tpu.vector_load %arg10[%swap3A_179] {strides = array<i32>} : memref<640xf32, #tpu.memory_space<vmem>>, vector<16xf32>,
    %swap3A_181 = vector.shape_cast %swap3A_180 : vector<16xf32> to vector<16xf32>
    %swap3A_182 = vector.shape_cast %broadcast_in_dim3A_178 : vector<16xf32> to vector<16xf32>
    tpu.vector_store %arg10[%swap3A_179], %swap3A_182 {strides = array<i32>} : memref<640xf32, #tpu.memory_space<vmem>>, vector<16xf32>,
    %broadcast_in_dim3A_183 = arith.constant 0.000000e+00 : f32
    %broadcast_in_dim3A_184 = vector.broadcast %broadcast_in_dim3A_183 : f32 to vector<16xf32>
    %swap3A_185 = arith.constant 480 : index
    %swap3A_186 = tpu.vector_load %arg10[%swap3A_185] {strides = array<i32>} : memref<640xf32, #tpu.memory_space<vmem>>, vector<16xf32>,
    %swap3A_187 = vector.shape_cast %swap3A_186 : vector<16xf32> to vector<16xf32>
    %swap3A_188 = vector.shape_cast %broadcast_in_dim3A_184 : vector<16xf32> to vector<16xf32>
    tpu.vector_store %arg10[%swap3A_185], %swap3A_188 {strides = array<i32>} : memref<640xf32, #tpu.memory_space<vmem>>, vector<16xf32>,
    %broadcast_in_dim3A_189 = arith.constant 0.000000e+00 : f32
    %broadcast_in_dim3A_190 = vector.broadcast %broadcast_in_dim3A_189 : f32 to vector<16xf32>
    %swap3A_191 = arith.constant 496 : index
    %swap3A_192 = tpu.vector_load %arg10[%swap3A_191] {strides = array<i32>} : memref<640xf32, #tpu.memory_space<vmem>>, vector<16xf32>,
    %swap3A_193 = vector.shape_cast %swap3A_192 : vector<16xf32> to vector<16xf32>
    %swap3A_194 = vector.shape_cast %broadcast_in_dim3A_190 : vector<16xf32> to vector<16xf32>
    tpu.vector_store %arg10[%swap3A_191], %swap3A_194 {strides = array<i32>} : memref<640xf32, #tpu.memory_space<vmem>>, vector<16xf32>,
    %broadcast_in_dim3A_195 = arith.constant 0.000000e+00 : f32
    %broadcast_in_dim3A_196 = vector.broadcast %broadcast_in_dim3A_195 : f32 to vector<16xf32>
    %swap3A_197 = arith.constant 512 : index
    %swap3A_198 = tpu.vector_load %arg10[%swap3A_197] {strides = array<i32>} : memref<640xf32, #tpu.memory_space<vmem>>, vector<16xf32>,
    %swap3A_199 = vector.shape_cast %swap3A_198 : vector<16xf32> to vector<16xf32>
    %swap3A_200 = vector.shape_cast %broadcast_in_dim3A_196 : vector<16xf32> to vector<16xf32>
    tpu.vector_store %arg10[%swap3A_197], %swap3A_200 {strides = array<i32>} : memref<640xf32, #tpu.memory_space<vmem>>, vector<16xf32>,
    %broadcast_in_dim3A_201 = arith.constant 0.000000e+00 : f32
    %broadcast_in_dim3A_202 = vector.broadcast %broadcast_in_dim3A_201 : f32 to vector<16xf32>
    %swap3A_203 = arith.constant 528 : index
    %swap3A_204 = tpu.vector_load %arg10[%swap3A_203] {strides = array<i32>} : memref<640xf32, #tpu.memory_space<vmem>>, vector<16xf32>,
    %swap3A_205 = vector.shape_cast %swap3A_204 : vector<16xf32> to vector<16xf32>
    %swap3A_206 = vector.shape_cast %broadcast_in_dim3A_202 : vector<16xf32> to vector<16xf32>
    tpu.vector_store %arg10[%swap3A_203], %swap3A_206 {strides = array<i32>} : memref<640xf32, #tpu.memory_space<vmem>>, vector<16xf32>,
    %broadcast_in_dim3A_207 = arith.constant 0.000000e+00 : f32
    %broadcast_in_dim3A_208 = vector.broadcast %broadcast_in_dim3A_207 : f32 to vector<16xf32>
    %swap3A_209 = arith.constant 544 : index
    %swap3A_210 = tpu.vector_load %arg10[%swap3A_209] {strides = array<i32>} : memref<640xf32, #tpu.memory_space<vmem>>, vector<16xf32>,
    %swap3A_211 = vector.shape_cast %swap3A_210 : vector<16xf32> to vector<16xf32>
    %swap3A_212 = vector.shape_cast %broadcast_in_dim3A_208 : vector<16xf32> to vector<16xf32>
    tpu.vector_store %arg10[%swap3A_209], %swap3A_212 {strides = array<i32>} : memref<640xf32, #tpu.memory_space<vmem>>, vector<16xf32>,
    %broadcast_in_dim3A_213 = arith.constant 0.000000e+00 : f32
    %broadcast_in_dim3A_214 = vector.broadcast %broadcast_in_dim3A_213 : f32 to vector<16xf32>
    %swap3A_215 = arith.constant 560 : index
    %swap3A_216 = tpu.vector_load %arg10[%swap3A_215] {strides = array<i32>} : memref<640xf32, #tpu.memory_space<vmem>>, vector<16xf32>,
    %swap3A_217 = vector.shape_cast %swap3A_216 : vector<16xf32> to vector<16xf32>
    %swap3A_218 = vector.shape_cast %broadcast_in_dim3A_214 : vector<16xf32> to vector<16xf32>
    tpu.vector_store %arg10[%swap3A_215], %swap3A_218 {strides = array<i32>} : memref<640xf32, #tpu.memory_space<vmem>>, vector<16xf32>,
    %broadcast_in_dim3A_219 = arith.constant 0.000000e+00 : f32
    %broadcast_in_dim3A_220 = vector.broadcast %broadcast_in_dim3A_219 : f32 to vector<16xf32>
    %swap3A_221 = arith.constant 576 : index
    %swap3A_222 = tpu.vector_load %arg10[%swap3A_221] {strides = array<i32>} : memref<640xf32, #tpu.memory_space<vmem>>, vector<16xf32>,
    %swap3A_223 = vector.shape_cast %swap3A_222 : vector<16xf32> to vector<16xf32>
    %swap3A_224 = vector.shape_cast %broadcast_in_dim3A_220 : vector<16xf32> to vector<16xf32>
    tpu.vector_store %arg10[%swap3A_221], %swap3A_224 {strides = array<i32>} : memref<640xf32, #tpu.memory_space<vmem>>, vector<16xf32>,
    %broadcast_in_dim3A_225 = arith.constant 0.000000e+00 : f32
    %broadcast_in_dim3A_226 = vector.broadcast %broadcast_in_dim3A_225 : f32 to vector<16xf32>
    %swap3A_227 = arith.constant 592 : index
    %swap3A_228 = tpu.vector_load %arg10[%swap3A_227] {strides = array<i32>} : memref<640xf32, #tpu.memory_space<vmem>>, vector<16xf32>,
    %swap3A_229 = vector.shape_cast %swap3A_228 : vector<16xf32> to vector<16xf32>
    %swap3A_230 = vector.shape_cast %broadcast_in_dim3A_226 : vector<16xf32> to vector<16xf32>
    tpu.vector_store %arg10[%swap3A_227], %swap3A_230 {strides = array<i32>} : memref<640xf32, #tpu.memory_space<vmem>>, vector<16xf32>,
    %broadcast_in_dim3A_231 = arith.constant 0.000000e+00 : f32
    %broadcast_in_dim3A_232 = vector.broadcast %broadcast_in_dim3A_231 : f32 to vector<16xf32>
    %swap3A_233 = arith.constant 608 : index
    %swap3A_234 = tpu.vector_load %arg10[%swap3A_233] {strides = array<i32>} : memref<640xf32, #tpu.memory_space<vmem>>, vector<16xf32>,
    %swap3A_235 = vector.shape_cast %swap3A_234 : vector<16xf32> to vector<16xf32>
    %swap3A_236 = vector.shape_cast %broadcast_in_dim3A_232 : vector<16xf32> to vector<16xf32>
    tpu.vector_store %arg10[%swap3A_233], %swap3A_236 {strides = array<i32>} : memref<640xf32, #tpu.memory_space<vmem>>, vector<16xf32>,
    %broadcast_in_dim3A_237 = arith.constant 0.000000e+00 : f32
    %broadcast_in_dim3A_238 = vector.broadcast %broadcast_in_dim3A_237 : f32 to vector<16xf32>
    %swap3A_239 = arith.constant 624 : index
    %swap3A_240 = tpu.vector_load %arg10[%swap3A_239] {strides = array<i32>} : memref<640xf32, #tpu.memory_space<vmem>>, vector<16xf32>,
    %swap3A_241 = vector.shape_cast %swap3A_240 : vector<16xf32> to vector<16xf32>
    %swap3A_242 = vector.shape_cast %broadcast_in_dim3A_238 : vector<16xf32> to vector<16xf32>
    tpu.vector_store %arg10[%swap3A_239], %swap3A_242 {strides = array<i32>} : memref<640xf32, #tpu.memory_space<vmem>>, vector<16xf32>,
    "tpu.region"() ({
      %run_scoped3A = tpu.sem_alloc : memref<!tpu.dma_semaphore, #tpu.memory_space<semaphore_mem>>
      %dma_start3A_265 = tpu.memref_slice %arg3[%mul3A_2] : memref<24576xi32, #tpu.memory_space<hbm>> -> memref<768xi32, #tpu.memory_space<hbm>>
      %dma_start3A_266 = tpu.memref_slice %arg3[%mul3A_2] : memref<24576xi32, #tpu.memory_space<hbm>> -> memref<768xi32, #tpu.memory_space<hbm>>
      tpu.enqueue_dma source(%dma_start3A_266 : memref<768xi32, #tpu.memory_space<hbm>>) target(%arg8 : memref<768xi32, #tpu.memory_space<vmem>>) target_semaphore(%run_scoped3A : memref<!tpu.dma_semaphore, #tpu.memory_space<semaphore_mem>>)
      %dma_wait3A_267 = tpu.memref_slice %arg3[%mul3A_2] : memref<24576xi32, #tpu.memory_space<hbm>> -> memref<768xi32, #tpu.memory_space<hbm>>
      %dma_wait3A_268 = tpu.memref_slice %arg3[%mul3A_2] : memref<24576xi32, #tpu.memory_space<hbm>> -> memref<768xi32, #tpu.memory_space<hbm>>
      tpu.wait_dma2 semaphore(%run_scoped3A : memref<!tpu.dma_semaphore, #tpu.memory_space<semaphore_mem>>) src(%dma_wait3A_268 : memref<768xi32, #tpu.memory_space<hbm>>) dst(%arg8 : memref<768xi32, #tpu.memory_space<vmem>>)
      tpu.yield
    }) : () -> ()
    %dma_start3A = arith.constant 0 : i32
    %dma_start3A_243 = tpu.memref_slice %arg2[%dma_start3A] : memref<1572864xf32, #tpu.memory_space<hbm>> -> memref<1572864xf32, #tpu.memory_space<hbm>>
    tpu.enqueue_indirect_dma source(%dma_start3A_243 : memref<1572864xf32, #tpu.memory_space<hbm>>) target(%arg9 : memref<768xf32, #tpu.memory_space<vmem>>) offsets(%arg8 : memref<768xi32, #tpu.memory_space<vmem>>) semaphore(%arg11 : memref<!tpu.dma_semaphore, #tpu.memory_space<semaphore_mem>>)
    %dma_wait3A = arith.constant 0 : i32
    %dma_wait3A_244 = tpu.memref_slice %arg2[%dma_wait3A] : memref<1572864xf32, #tpu.memory_space<hbm>> -> memref<1572864xf32, #tpu.memory_space<hbm>>
    tpu.wait_indirect_dma semaphore(%arg11 : memref<!tpu.dma_semaphore, #tpu.memory_space<semaphore_mem>>) src(%dma_wait3A_244 : memref<1572864xf32, #tpu.memory_space<hbm>>) dst(%arg9 : memref<768xf32, #tpu.memory_space<vmem>>)
    %add3A_245 = arith.constant 0 : i32
    %add3A_246 = arith.addi %mul3A_4, %add3A_245 : i32
    "tpu.region"() ({
      %run_scoped3A = tpu.sem_alloc : memref<!tpu.dma_semaphore, #tpu.memory_space<semaphore_mem>>
      %dma_start3A_265 = arith.constant 0 : i32
      %dma_start3A_266 = tpu.memref_slice %arg9[%dma_start3A_265] : memref<768xf32, #tpu.memory_space<vmem>> -> memref<384xf32, #tpu.memory_space<vmem>>
      %dma_start3A_267 = tpu.memref_slice %arg6[%add3A_246] : memref<65536xf32, #tpu.memory_space<hbm>> -> memref<384xf32, #tpu.memory_space<hbm>>
      %dma_start3A_268 = tpu.memref_slice %arg6[%add3A_246] : memref<65536xf32, #tpu.memory_space<hbm>> -> memref<384xf32, #tpu.memory_space<hbm>>
      %dma_start3A_269 = arith.constant 0 : i32
      %dma_start3A_270 = tpu.memref_slice %arg9[%dma_start3A_269] : memref<768xf32, #tpu.memory_space<vmem>> -> memref<384xf32, #tpu.memory_space<vmem>>
      tpu.enqueue_dma source(%dma_start3A_270 : memref<384xf32, #tpu.memory_space<vmem>>) target(%dma_start3A_268 : memref<384xf32, #tpu.memory_space<hbm>>) target_semaphore(%run_scoped3A : memref<!tpu.dma_semaphore, #tpu.memory_space<semaphore_mem>>)
      %dma_wait3A_271 = arith.constant 0 : i32
      %dma_wait3A_272 = tpu.memref_slice %arg9[%dma_wait3A_271] : memref<768xf32, #tpu.memory_space<vmem>> -> memref<384xf32, #tpu.memory_space<vmem>>
      %dma_wait3A_273 = tpu.memref_slice %arg6[%add3A_246] : memref<65536xf32, #tpu.memory_space<hbm>> -> memref<384xf32, #tpu.memory_space<hbm>>
      %dma_wait3A_274 = tpu.memref_slice %arg6[%add3A_246] : memref<65536xf32, #tpu.memory_space<hbm>> -> memref<384xf32, #tpu.memory_space<hbm>>
      %dma_wait3A_275 = arith.constant 0 : i32
      %dma_wait3A_276 = tpu.memref_slice %arg9[%dma_wait3A_275] : memref<768xf32, #tpu.memory_space<vmem>> -> memref<384xf32, #tpu.memory_space<vmem>>
      tpu.wait_dma2 semaphore(%run_scoped3A : memref<!tpu.dma_semaphore, #tpu.memory_space<semaphore_mem>>) src(%dma_wait3A_276 : memref<384xf32, #tpu.memory_space<vmem>>) dst(%dma_wait3A_274 : memref<384xf32, #tpu.memory_space<hbm>>)
      tpu.yield
    }) : () -> ()
    %add3A_247 = arith.constant 384 : i32
    %add3A_248 = arith.addi %add3A_246, %add3A_247 : i32
    "tpu.region"() ({
      %run_scoped3A = tpu.sem_alloc : memref<!tpu.dma_semaphore, #tpu.memory_space<semaphore_mem>>
      %dma_start3A_265 = tpu.memref_slice %arg6[%add3A_248] : memref<65536xf32, #tpu.memory_space<hbm>> -> memref<640xf32, #tpu.memory_space<hbm>>
      %dma_start3A_266 = tpu.memref_slice %arg6[%add3A_248] : memref<65536xf32, #tpu.memory_space<hbm>> -> memref<640xf32, #tpu.memory_space<hbm>>
      tpu.enqueue_dma source(%arg10 : memref<640xf32, #tpu.memory_space<vmem>>) target(%dma_start3A_266 : memref<640xf32, #tpu.memory_space<hbm>>) target_semaphore(%run_scoped3A : memref<!tpu.dma_semaphore, #tpu.memory_space<semaphore_mem>>)
      %dma_wait3A_267 = tpu.memref_slice %arg6[%add3A_248] : memref<65536xf32, #tpu.memory_space<hbm>> -> memref<640xf32, #tpu.memory_space<hbm>>
      %dma_wait3A_268 = tpu.memref_slice %arg6[%add3A_248] : memref<65536xf32, #tpu.memory_space<hbm>> -> memref<640xf32, #tpu.memory_space<hbm>>
      tpu.wait_dma2 semaphore(%run_scoped3A : memref<!tpu.dma_semaphore, #tpu.memory_space<semaphore_mem>>) src(%arg10 : memref<640xf32, #tpu.memory_space<vmem>>) dst(%dma_wait3A_268 : memref<640xf32, #tpu.memory_space<hbm>>)
      tpu.yield
    }) : () -> ()
    %add3A_249 = arith.constant 1024 : i32
    %add3A_250 = arith.addi %mul3A_4, %add3A_249 : i32
    "tpu.region"() ({
      %run_scoped3A = tpu.sem_alloc : memref<!tpu.dma_semaphore, #tpu.memory_space<semaphore_mem>>
      %dma_start3A_265 = arith.constant 384 : i32
      %dma_start3A_266 = tpu.memref_slice %arg9[%dma_start3A_265] : memref<768xf32, #tpu.memory_space<vmem>> -> memref<384xf32, #tpu.memory_space<vmem>>
      %dma_start3A_267 = tpu.memref_slice %arg6[%add3A_250] : memref<65536xf32, #tpu.memory_space<hbm>> -> memref<384xf32, #tpu.memory_space<hbm>>
      %dma_start3A_268 = tpu.memref_slice %arg6[%add3A_250] : memref<65536xf32, #tpu.memory_space<hbm>> -> memref<384xf32, #tpu.memory_space<hbm>>
      %dma_start3A_269 = arith.constant 384 : i32
      %dma_start3A_270 = tpu.memref_slice %arg9[%dma_start3A_269] : memref<768xf32, #tpu.memory_space<vmem>> -> memref<384xf32, #tpu.memory_space<vmem>>
      tpu.enqueue_dma source(%dma_start3A_270 : memref<384xf32, #tpu.memory_space<vmem>>) target(%dma_start3A_268 : memref<384xf32, #tpu.memory_space<hbm>>) target_semaphore(%run_scoped3A : memref<!tpu.dma_semaphore, #tpu.memory_space<semaphore_mem>>)
      %dma_wait3A_271 = arith.constant 384 : i32
      %dma_wait3A_272 = tpu.memref_slice %arg9[%dma_wait3A_271] : memref<768xf32, #tpu.memory_space<vmem>> -> memref<384xf32, #tpu.memory_space<vmem>>
      %dma_wait3A_273 = tpu.memref_slice %arg6[%add3A_250] : memref<65536xf32, #tpu.memory_space<hbm>> -> memref<384xf32, #tpu.memory_space<hbm>>
      %dma_wait3A_274 = tpu.memref_slice %arg6[%add3A_250] : memref<65536xf32, #tpu.memory_space<hbm>> -> memref<384xf32, #tpu.memory_space<hbm>>
      %dma_wait3A_275 = arith.constant 384 : i32
      %dma_wait3A_276 = tpu.memref_slice %arg9[%dma_wait3A_275] : memref<768xf32, #tpu.memory_space<vmem>> -> memref<384xf32, #tpu.memory_space<vmem>>
      tpu.wait_dma2 semaphore(%run_scoped3A : memref<!tpu.dma_semaphore, #tpu.memory_space<semaphore_mem>>) src(%dma_wait3A_276 : memref<384xf32, #tpu.memory_space<vmem>>) dst(%dma_wait3A_274 : memref<384xf32, #tpu.memory_space<hbm>>)
      tpu.yield
    }) : () -> ()
    %add3A_251 = arith.constant 384 : i32
    %add3A_252 = arith.addi %add3A_250, %add3A_251 : i32
    "tpu.region"() ({
      %run_scoped3A = tpu.sem_alloc : memref<!tpu.dma_semaphore, #tpu.memory_space<semaphore_mem>>
      %dma_start3A_265 = tpu.memref_slice %arg6[%add3A_252] : memref<65536xf32, #tpu.memory_space<hbm>> -> memref<640xf32, #tpu.memory_space<hbm>>
      %dma_start3A_266 = tpu.memref_slice %arg6[%add3A_252] : memref<65536xf32, #tpu.memory_space<hbm>> -> memref<640xf32, #tpu.memory_space<hbm>>
      tpu.enqueue_dma source(%arg10 : memref<640xf32, #tpu.memory_space<vmem>>) target(%dma_start3A_266 : memref<640xf32, #tpu.memory_space<hbm>>) target_semaphore(%run_scoped3A : memref<!tpu.dma_semaphore, #tpu.memory_space<semaphore_mem>>)
      %dma_wait3A_267 = tpu.memref_slice %arg6[%add3A_252] : memref<65536xf32, #tpu.memory_space<hbm>> -> memref<640xf32, #tpu.memory_space<hbm>>
      %dma_wait3A_268 = tpu.memref_slice %arg6[%add3A_252] : memref<65536xf32, #tpu.memory_space<hbm>> -> memref<640xf32, #tpu.memory_space<hbm>>
      tpu.wait_dma2 semaphore(%run_scoped3A : memref<!tpu.dma_semaphore, #tpu.memory_space<semaphore_mem>>) src(%arg10 : memref<640xf32, #tpu.memory_space<vmem>>) dst(%dma_wait3A_268 : memref<640xf32, #tpu.memory_space<hbm>>)
      tpu.yield
    }) : () -> ()
    "tpu.region"() ({
      %run_scoped3A = tpu.sem_alloc : memref<!tpu.dma_semaphore, #tpu.memory_space<semaphore_mem>>
      %dma_start3A_265 = tpu.memref_slice %arg5[%mul3A_2] : memref<24576xi32, #tpu.memory_space<hbm>> -> memref<768xi32, #tpu.memory_space<hbm>>
      %dma_start3A_266 = tpu.memref_slice %arg5[%mul3A_2] : memref<24576xi32, #tpu.memory_space<hbm>> -> memref<768xi32, #tpu.memory_space<hbm>>
      tpu.enqueue_dma source(%dma_start3A_266 : memref<768xi32, #tpu.memory_space<hbm>>) target(%arg8 : memref<768xi32, #tpu.memory_space<vmem>>) target_semaphore(%run_scoped3A : memref<!tpu.dma_semaphore, #tpu.memory_space<semaphore_mem>>)
      %dma_wait3A_267 = tpu.memref_slice %arg5[%mul3A_2] : memref<24576xi32, #tpu.memory_space<hbm>> -> memref<768xi32, #tpu.memory_space<hbm>>
      %dma_wait3A_268 = tpu.memref_slice %arg5[%mul3A_2] : memref<24576xi32, #tpu.memory_space<hbm>> -> memref<768xi32, #tpu.memory_space<hbm>>
      tpu.wait_dma2 semaphore(%run_scoped3A : memref<!tpu.dma_semaphore, #tpu.memory_space<semaphore_mem>>) src(%dma_wait3A_268 : memref<768xi32, #tpu.memory_space<hbm>>) dst(%arg8 : memref<768xi32, #tpu.memory_space<vmem>>)
      tpu.yield
    }) : () -> ()
    %dma_start3A_253 = arith.constant 0 : i32
    %dma_start3A_254 = tpu.memref_slice %arg4[%dma_start3A_253] : memref<1572864xf32, #tpu.memory_space<hbm>> -> memref<1572864xf32, #tpu.memory_space<hbm>>
    tpu.enqueue_indirect_dma source(%dma_start3A_254 : memref<1572864xf32, #tpu.memory_space<hbm>>) target(%arg9 : memref<768xf32, #tpu.memory_space<vmem>>) offsets(%arg8 : memref<768xi32, #tpu.memory_space<vmem>>) semaphore(%arg11 : memref<!tpu.dma_semaphore, #tpu.memory_space<semaphore_mem>>)
    %dma_wait3A_255 = arith.constant 0 : i32
    %dma_wait3A_256 = tpu.memref_slice %arg4[%dma_wait3A_255] : memref<1572864xf32, #tpu.memory_space<hbm>> -> memref<1572864xf32, #tpu.memory_space<hbm>>
    tpu.wait_indirect_dma semaphore(%arg11 : memref<!tpu.dma_semaphore, #tpu.memory_space<semaphore_mem>>) src(%dma_wait3A_256 : memref<1572864xf32, #tpu.memory_space<hbm>>) dst(%arg9 : memref<768xf32, #tpu.memory_space<vmem>>)
    %add3A_257 = arith.constant 0 : i32
    %add3A_258 = arith.addi %mul3A_4, %add3A_257 : i32
    "tpu.region"() ({
      %run_scoped3A = tpu.sem_alloc : memref<!tpu.dma_semaphore, #tpu.memory_space<semaphore_mem>>
      %dma_start3A_265 = arith.constant 0 : i32
      %dma_start3A_266 = tpu.memref_slice %arg9[%dma_start3A_265] : memref<768xf32, #tpu.memory_space<vmem>> -> memref<384xf32, #tpu.memory_space<vmem>>
      %dma_start3A_267 = tpu.memref_slice %arg7[%add3A_258] : memref<65536xf32, #tpu.memory_space<hbm>> -> memref<384xf32, #tpu.memory_space<hbm>>
      %dma_start3A_268 = tpu.memref_slice %arg7[%add3A_258] : memref<65536xf32, #tpu.memory_space<hbm>> -> memref<384xf32, #tpu.memory_space<hbm>>
      %dma_start3A_269 = arith.constant 0 : i32
      %dma_start3A_270 = tpu.memref_slice %arg9[%dma_start3A_269] : memref<768xf32, #tpu.memory_space<vmem>> -> memref<384xf32, #tpu.memory_space<vmem>>
      tpu.enqueue_dma source(%dma_start3A_270 : memref<384xf32, #tpu.memory_space<vmem>>) target(%dma_start3A_268 : memref<384xf32, #tpu.memory_space<hbm>>) target_semaphore(%run_scoped3A : memref<!tpu.dma_semaphore, #tpu.memory_space<semaphore_mem>>)
      %dma_wait3A_271 = arith.constant 0 : i32
      %dma_wait3A_272 = tpu.memref_slice %arg9[%dma_wait3A_271] : memref<768xf32, #tpu.memory_space<vmem>> -> memref<384xf32, #tpu.memory_space<vmem>>
      %dma_wait3A_273 = tpu.memref_slice %arg7[%add3A_258] : memref<65536xf32, #tpu.memory_space<hbm>> -> memref<384xf32, #tpu.memory_space<hbm>>
      %dma_wait3A_274 = tpu.memref_slice %arg7[%add3A_258] : memref<65536xf32, #tpu.memory_space<hbm>> -> memref<384xf32, #tpu.memory_space<hbm>>
      %dma_wait3A_275 = arith.constant 0 : i32
      %dma_wait3A_276 = tpu.memref_slice %arg9[%dma_wait3A_275] : memref<768xf32, #tpu.memory_space<vmem>> -> memref<384xf32, #tpu.memory_space<vmem>>
      tpu.wait_dma2 semaphore(%run_scoped3A : memref<!tpu.dma_semaphore, #tpu.memory_space<semaphore_mem>>) src(%dma_wait3A_276 : memref<384xf32, #tpu.memory_space<vmem>>) dst(%dma_wait3A_274 : memref<384xf32, #tpu.memory_space<hbm>>)
      tpu.yield
    }) : () -> ()
    %add3A_259 = arith.constant 384 : i32
    %add3A_260 = arith.addi %add3A_258, %add3A_259 : i32
    "tpu.region"() ({
      %run_scoped3A = tpu.sem_alloc : memref<!tpu.dma_semaphore, #tpu.memory_space<semaphore_mem>>
      %dma_start3A_265 = tpu.memref_slice %arg7[%add3A_260] : memref<65536xf32, #tpu.memory_space<hbm>> -> memref<640xf32, #tpu.memory_space<hbm>>
      %dma_start3A_266 = tpu.memref_slice %arg7[%add3A_260] : memref<65536xf32, #tpu.memory_space<hbm>> -> memref<640xf32, #tpu.memory_space<hbm>>
      tpu.enqueue_dma source(%arg10 : memref<640xf32, #tpu.memory_space<vmem>>) target(%dma_start3A_266 : memref<640xf32, #tpu.memory_space<hbm>>) target_semaphore(%run_scoped3A : memref<!tpu.dma_semaphore, #tpu.memory_space<semaphore_mem>>)
      %dma_wait3A_267 = tpu.memref_slice %arg7[%add3A_260] : memref<65536xf32, #tpu.memory_space<hbm>> -> memref<640xf32, #tpu.memory_space<hbm>>
      %dma_wait3A_268 = tpu.memref_slice %arg7[%add3A_260] : memref<65536xf32, #tpu.memory_space<hbm>> -> memref<640xf32, #tpu.memory_space<hbm>>
      tpu.wait_dma2 semaphore(%run_scoped3A : memref<!tpu.dma_semaphore, #tpu.memory_space<semaphore_mem>>) src(%arg10 : memref<640xf32, #tpu.memory_space<vmem>>) dst(%dma_wait3A_268 : memref<640xf32, #tpu.memory_space<hbm>>)
      tpu.yield
    }) : () -> ()
    %add3A_261 = arith.constant 1024 : i32
    %add3A_262 = arith.addi %mul3A_4, %add3A_261 : i32
    "tpu.region"() ({
      %run_scoped3A = tpu.sem_alloc : memref<!tpu.dma_semaphore, #tpu.memory_space<semaphore_mem>>
      %dma_start3A_265 = arith.constant 384 : i32
      %dma_start3A_266 = tpu.memref_slice %arg9[%dma_start3A_265] : memref<768xf32, #tpu.memory_space<vmem>> -> memref<384xf32, #tpu.memory_space<vmem>>
      %dma_start3A_267 = tpu.memref_slice %arg7[%add3A_262] : memref<65536xf32, #tpu.memory_space<hbm>> -> memref<384xf32, #tpu.memory_space<hbm>>
      %dma_start3A_268 = tpu.memref_slice %arg7[%add3A_262] : memref<65536xf32, #tpu.memory_space<hbm>> -> memref<384xf32, #tpu.memory_space<hbm>>
      %dma_start3A_269 = arith.constant 384 : i32
      %dma_start3A_270 = tpu.memref_slice %arg9[%dma_start3A_269] : memref<768xf32, #tpu.memory_space<vmem>> -> memref<384xf32, #tpu.memory_space<vmem>>
      tpu.enqueue_dma source(%dma_start3A_270 : memref<384xf32, #tpu.memory_space<vmem>>) target(%dma_start3A_268 : memref<384xf32, #tpu.memory_space<hbm>>) target_semaphore(%run_scoped3A : memref<!tpu.dma_semaphore, #tpu.memory_space<semaphore_mem>>)
      %dma_wait3A_271 = arith.constant 384 : i32
      %dma_wait3A_272 = tpu.memref_slice %arg9[%dma_wait3A_271] : memref<768xf32, #tpu.memory_space<vmem>> -> memref<384xf32, #tpu.memory_space<vmem>>
      %dma_wait3A_273 = tpu.memref_slice %arg7[%add3A_262] : memref<65536xf32, #tpu.memory_space<hbm>> -> memref<384xf32, #tpu.memory_space<hbm>>
      %dma_wait3A_274 = tpu.memref_slice %arg7[%add3A_262] : memref<65536xf32, #tpu.memory_space<hbm>> -> memref<384xf32, #tpu.memory_space<hbm>>
      %dma_wait3A_275 = arith.constant 384 : i32
      %dma_wait3A_276 = tpu.memref_slice %arg9[%dma_wait3A_275] : memref<768xf32, #tpu.memory_space<vmem>> -> memref<384xf32, #tpu.memory_space<vmem>>
      tpu.wait_dma2 semaphore(%run_scoped3A : memref<!tpu.dma_semaphore, #tpu.memory_space<semaphore_mem>>) src(%dma_wait3A_276 : memref<384xf32, #tpu.memory_space<vmem>>) dst(%dma_wait3A_274 : memref<384xf32, #tpu.memory_space<hbm>>)
      tpu.yield
    }) : () -> ()
    %add3A_263 = arith.constant 384 : i32
    %add3A_264 = arith.addi %add3A_262, %add3A_263 : i32
    "tpu.region"() ({
      %run_scoped3A = tpu.sem_alloc : memref<!tpu.dma_semaphore, #tpu.memory_space<semaphore_mem>>
      %dma_start3A_265 = tpu.memref_slice %arg7[%add3A_264] : memref<65536xf32, #tpu.memory_space<hbm>> -> memref<640xf32, #tpu.memory_space<hbm>>
      %dma_start3A_266 = tpu.memref_slice %arg7[%add3A_264] : memref<65536xf32, #tpu.memory_space<hbm>> -> memref<640xf32, #tpu.memory_space<hbm>>
      tpu.enqueue_dma source(%arg10 : memref<640xf32, #tpu.memory_space<vmem>>) target(%dma_start3A_266 : memref<640xf32, #tpu.memory_space<hbm>>) target_semaphore(%run_scoped3A : memref<!tpu.dma_semaphore, #tpu.memory_space<semaphore_mem>>)
      %dma_wait3A_267 = tpu.memref_slice %arg7[%add3A_264] : memref<65536xf32, #tpu.memory_space<hbm>> -> memref<640xf32, #tpu.memory_space<hbm>>
      %dma_wait3A_268 = tpu.memref_slice %arg7[%add3A_264] : memref<65536xf32, #tpu.memory_space<hbm>> -> memref<640xf32, #tpu.memory_space<hbm>>
      tpu.wait_dma2 semaphore(%run_scoped3A : memref<!tpu.dma_semaphore, #tpu.memory_space<semaphore_mem>>) src(%arg10 : memref<640xf32, #tpu.memory_space<vmem>>) dst(%dma_wait3A_268 : memref<640xf32, #tpu.memory_space<hbm>>)
      tpu.yield
    }) : () -> ()
    return
  }
}

module attributes {stable_mosaic.version = 14 : i64} {
  func.func @_chamfer_body(%arg0: i32, %arg1: memref<1x8x2048xf32, #tpu.memory_space<vmem>>, %arg2: memref<1x8x2048xf32, #tpu.memory_space<vmem>>, %arg3: memref<4xf32, #tpu.memory_space<smem>>) attributes {dimension_semantics = [#tpu.dimension_semantics<arbitrary>], iteration_bounds = array<i64: 4>, scalar_prefetch = 0 : i64, scratch_operands = 0 : i64, tpu.core_type = #tpu.core_type<tc>, window_params = [{transform_indices = @transform_0, window_bounds = array<i64: 1, 8, 2048>}, {transform_indices = @transform_1, window_bounds = array<i64: 1, 8, 2048>}, {transform_indices = @transform_2, window_bounds = array<i64: 4>}]} {
    %get3A = arith.constant 0 : index
    %get3A_0 = arith.constant 0 : index
    %get3A_1 = arith.constant 0 : index
    %get3A_2 = vector.load %arg1[%get3A, %get3A_0, %get3A_1] : memref<1x8x2048xf32, #tpu.memory_space<vmem>>, vector<1x8x2048xf32>
    %get3A_3 = vector.shape_cast %get3A_2 : vector<1x8x2048xf32> to vector<8x2048xf32>
    %get3A_4 = arith.constant 0 : index
    %get3A_5 = arith.constant 0 : index
    %get3A_6 = arith.constant 0 : index
    %get3A_7 = vector.load %arg2[%get3A_4, %get3A_5, %get3A_6] : memref<1x8x2048xf32, #tpu.memory_space<vmem>>, vector<1x8x2048xf32>
    %get3A_8 = vector.shape_cast %get3A_7 : vector<1x8x2048xf32> to vector<8x2048xf32>
    %mul3A = arith.mulf %get3A_3, %get3A_3 : vector<8x2048xf32>
    %reduce_sum3A = arith.constant dense<0.000000e+00> : vector<2048xf32>
    %reduce_sum3A_9 = vector.multi_reduction <add>, %mul3A, %reduce_sum3A [0] : vector<8x2048xf32> to vector<2048xf32>
    %mul3A_10 = arith.mulf %get3A_8, %get3A_8 : vector<8x2048xf32>
    %reduce_sum3A_11 = arith.constant dense<0.000000e+00> : vector<2048xf32>
    %reduce_sum3A_12 = vector.multi_reduction <add>, %mul3A_10, %reduce_sum3A_11 [0] : vector<8x2048xf32> to vector<2048xf32>
    %mul3A_13 = arith.constant -2.000000e+00 : f32
    %mul3A_14 = vector.broadcast %mul3A_13 : f32 to vector<8x2048xf32>
    %mul3A_15 = arith.mulf %mul3A_14, %get3A_3 : vector<8x2048xf32>
    %dot_general3A = arith.constant dense<0.000000e+00> : vector<2048x2048xf32>
    %dot_general3A_16 = tpu.matmul %mul3A_15, %get3A_8, %dot_general3A {dimension_numbers = #tpu.dot_dimension_numbers<[0], [0], [1], [1], [0, 1, 1, 1], [], []>, transpose_lhs_hint = false} : vector<8x2048xf32>, vector<8x2048xf32>, vector<2048x2048xf32> -> vector<2048x2048xf32>
    %broadcast_in_dim3A = vector.shape_cast %reduce_sum3A_12 : vector<2048xf32> to vector<1x2048xf32>
    %add3A = vector.broadcast %broadcast_in_dim3A : vector<1x2048xf32> to vector<2048x2048xf32>
    %add3A_17 = arith.addf %dot_general3A_16, %add3A : vector<2048x2048xf32>
    %broadcast_in_dim3A_18 = vector.shape_cast %reduce_sum3A_9 : vector<2048xf32> to vector<2048x1xf32>
    %add3A_19 = vector.broadcast %broadcast_in_dim3A_18 : vector<2048x1xf32> to vector<2048x2048xf32>
    %add3A_20 = arith.addf %add3A_17, %add3A_19 : vector<2048x2048xf32>
    %reduce_min3A = arith.constant dense<0x7F800000> : vector<2048xf32>
    %reduce_min3A_21 = vector.multi_reduction <minimumf>, %add3A_20, %reduce_min3A [1] : vector<2048x2048xf32> to vector<2048xf32>
    %reduce_min3A_22 = arith.constant dense<0x7F800000> : vector<2048xf32>
    %reduce_min3A_23 = vector.multi_reduction <minimumf>, %add3A_20, %reduce_min3A_22 [0] : vector<2048x2048xf32> to vector<2048xf32>
    %reduce_sum3A_24 = vector.shape_cast %reduce_min3A_21 : vector<2048xf32> to vector<1x2048xf32>
    %reduce_sum3A_25 = arith.constant dense<0.000000e+00> : vector<1xf32>
    %reduce_sum3A_26 = vector.multi_reduction <add>, %reduce_sum3A_24, %reduce_sum3A_25 [1] : vector<1x2048xf32> to vector<1xf32>
    %reduce_sum3A_27 = vector.shape_cast %reduce_sum3A_26 : vector<1xf32> to vector<1x1xf32>
    %reduce_sum3A_28 = vector.extract %reduce_sum3A_27[0, 0] : f32 from vector<1x1xf32>
    %div3A = arith.constant 2.048000e+03 : f32
    %div3A_29 = arith.divf %reduce_sum3A_28, %div3A : f32
    %reduce_sum3A_30 = vector.shape_cast %reduce_min3A_23 : vector<2048xf32> to vector<1x2048xf32>
    %reduce_sum3A_31 = arith.constant dense<0.000000e+00> : vector<1xf32>
    %reduce_sum3A_32 = vector.multi_reduction <add>, %reduce_sum3A_30, %reduce_sum3A_31 [1] : vector<1x2048xf32> to vector<1xf32>
    %reduce_sum3A_33 = vector.shape_cast %reduce_sum3A_32 : vector<1xf32> to vector<1x1xf32>
    %reduce_sum3A_34 = vector.extract %reduce_sum3A_33[0, 0] : f32 from vector<1x1xf32>
    %div3A_35 = arith.constant 2.048000e+03 : f32
    %div3A_36 = arith.divf %reduce_sum3A_34, %div3A_35 : f32
    %add3A_37 = arith.addf %div3A_29, %div3A_36 : f32
    %swap3A = arith.index_cast %arg0 : i32 to index
    %swap3A_38 = memref.load %arg3[%swap3A] : memref<4xf32, #tpu.memory_space<smem>>
    memref.store %add3A_37, %arg3[%swap3A] : memref<4xf32, #tpu.memory_space<smem>>
    return
  }
  func.func @transform_0(%arg0: i32) -> (i32, i32, i32) {
    %c0_i32 = arith.constant 0 : i32
    %c0_i32_0 = arith.constant 0 : i32
    %c0_i32_1 = arith.constant 0 : i32
    return %arg0, %c0_i32, %c0_i32_0 : i32, i32, i32
  }
  func.func @transform_1(%arg0: i32) -> (i32, i32, i32) {
    %c0_i32 = arith.constant 0 : i32
    %c0_i32_0 = arith.constant 0 : i32
    %c0_i32_1 = arith.constant 0 : i32
    return %arg0, %c0_i32, %c0_i32_0 : i32, i32, i32
  }
  func.func @transform_2(%arg0: i32) -> i32 {
    %c0_i32 = arith.constant 0 : i32
    %c0_i32_0 = arith.constant 0 : i32
    return %c0_i32 : i32
  }
}

</mosaic_0001>

<sc_bundles>
// kernel: kernel.6.cloned.1.call-start
scs
__scs_entry_jumppad:
0x0: {  	(pc) =	sbr.rel $0x88, $3  }
0x1: {  	(tag) =	ssettag $0x0;
	lr =	simm.s32 $0x1  }
0x2: {  	[smem:$0x3F9F] =	sst lr;
	_ =	strace $0xD0000000  }
0x3: {  	_ = 	snop  }
0x4: {  	_ = 	snop  }
0x5: {  	_ = 	snop  }
0x6: {  	_ = 	snop  }
0x7: {  	_ = 	snop  }
__scs_overlays_trampoline_lowered:
0x8: {  	[smem:$0x3FAE] =	sst s0  }
0x9: {  	[smem:$0x3FAF] =	sst s1  }
0xa: {  	[smem:$0x3FB0] =	sst s2  }
0xb: {  	[smem:$0x3FB1] =	sst s3  }
0xc: {  	[smem:$0x3FB2] =	sst s4  }
0xd: {  	[smem:$0x3FB3] =	sst s5  }
0xe: {  	[smem:$0x3FB4] =	sst s6  }
0xf: {  	[smem:$0x3FB5] =	sst s7  }
0x10: {  	[smem:$0x3FB6] =	sst s8  }
0x11: {  	[smem:$0x3FB7] =	sst s9;
	s0 =	simm.s32 @!p0 $0x0  }
0x12: {  	s1 =	sld [smem:$0x3F9D];
	s0 =	simm.s32 @p0 $0x1  }
0x13: {  	[smem:$0x3FB8] =	sst s0;
	s0 =	simm.s32 @!p1 $0x0  }
0x14: {  	s2 =	sld [smem:$0x3F9C];
	s0 =	simm.s32 @p1 $0x1  }
0x15: {  	[smem:$0x3FB9] =	sst s0;
	s0 =	simm.s32 @!p2 $0x0  }
0x16: {  	s3 =	sld [smem:$0x3FDB];
	s0 =	simm.s32 @p2 $0x1  }
0x17: {  	s4 =	simm.s32 $0x1BF5;
	[smem:$0x3FBB] =	sst s0  }
0x18: {  	s0 =	sld [smem:$0x3F9E];
	_ =	swait.ge [sflag:s4], $0x0  }
0x19: {  	s7 =	sld [smem:$0x3F9F]  }
0x1a: {  	s8 =	sadd.s32 $0xFFFFE003, lr  }
0x1b: {  	s9 =	sadd.s32 $0xFFFFFEF7, lr;
	s5 =	simm.s32 $0xFFFFFFFF;
	p2 =	slt.u32 s8, $0xFFFFF086  }
0x1c: {  	p1 =	slt.u32 s9, $0xF7A;
	s5 =	simm.s32 @!p2 $0x0  }
0x1d: {  	s5 =	simm.s32 @p1 $0x1;
	p0 =	seq.s32 s7, s2  }
0x1e: {  	s7 =	smul.u32 @!p0 $0xF7A, s2;
	p2 =	seq.s32 @!p0 s5, $0x0  }
0x1f: {  	s9 =	smul.u32 $0xF7A, s1;
	s8 =	simm.s32 @!p0 $0x1BF5;
	p2 =	por !p2, p0  }
0x20: {  	[sflag:s8] =	ssyncset.s32 @!p0 $0xFFFFF086;
	s6 =	sadd.s32 @!p0 s3, s7;
	s7 =	simm.s32 @!p0 $0x108  }
0x21: {  	s3 =	sadd.s32 s3, s9;
	s6 =	sadd.s32 @!p0 $0x88, s6;
	s7 =	simm.s32 @p2 $0x1082  }
0x22: {  	[simem:s7], [sflag:s8] =	dma.local @!p0 [hbm:s6], $0xF7A  }
0x23: {  	s9 =	sor.u32 $0xD0000000, s2;
	s6 =	simm.s32 $0x108;
	_ =	swait.ge @!p0 [sflag:s8], $0x0  }
0x24: {  	s3 =	sadd.s32 $0x88, s3;
	s6 =	simm.s32 @!p1 $0x1082;
	[sflag:s4] =	ssyncset.s32 $0xFFFFF086  }
0x25: {  	[simem:s6], [sflag:s4] =	dma.local [hbm:s3], $0xF7A  }
0x26: {  	[smem:$0x3F9F] =	sst s1;
	(tag) =	ssettag s2;
	_ =	strace s9  }
0x27: {  	s1 =	sld [smem:$0x3FAF]  }
0x28: {  	s2 =	sld [smem:$0x3FB0]  }
0x29: {  	s4 =	sld [smem:$0x3FB2]  }
0x2a: {  	p0 =	seq.s32 s5, $0x0;
	s5 =	sld [smem:$0x3FB3]  }
0x2b: {  	s6 =	sld [smem:$0x3FB4]  }
0x2c: {  	s7 =	sld [smem:$0x3FB5]  }
0x2d: {  	s3 =	simm.s32 $0x108;
	s8 =	sld [smem:$0x3FB6]  }
0x2e: {  	s3 =	simm.s32 @!p0 $0x1082;
	s9 =	sld [smem:$0x3FB7]  }
0x2f: {  	lr =	sadd.s32 s0, s3;
	s0 =	sld [smem:$0x3FAE]  }
0x30: {  	s3 =	sld [smem:$0x3FB1]  }
0x31: {  	[smem:$0x3FBA] =	sst s10  }
0x32: {  	s10 =	sld [smem:$0x3FB8];
	_ =	sdelay $0x3  }
0x33: {  	p0 =	seq.s32 s10, $0x1;
	s10 =	sld [smem:$0x3FBA];
	_ =	sdelay $0x3  }
0x34: {  	[smem:$0x3FBA] =	sst s10  }
0x35: {  	s10 =	sld [smem:$0x3FB9];
	_ =	sdelay $0x3  }
0x36: {  	p1 =	seq.s32 s10, $0x1;
	s10 =	sld [smem:$0x3FBA];
	_ =	sdelay $0x3  }
0x37: {  	[smem:$0x3FBA] =	sst s10  }
0x38: {  	s10 =	sld [smem:$0x3FBB]  }
0x39: {  	_ = 	snop;
	(pc) =	sbr.ind lr, $3  }
0x3a: {  	_ = 	snop  }
0x3b: {  	_ = 	snop  }
0x3c: {  	p2 =	seq.s32 s10, $0x1;
	s10 =	sld [smem:$0x3FBA]  }
0x3d: {  	_ =	shalt  }
0x3e: {  	_ =	shalt  }
0x3f: {  	_ =	shalt  }
0x40: {  	_ =	shalt  }
0x41: {  	_ =	shalt  }
0x42: {  	_ =	shalt  }
0x43: {  	_ =	shalt  }
0x44: {  	_ =	shalt  }
0x45: {  	_ =	shalt  }
0x46: {  	_ =	shalt  }
0x47: {  	_ =	shalt  }
0x48: {  	_ =	shalt  }
0x49: {  	_ =	shalt  }
0x4a: {  	_ =	shalt  }
0x4b: {  	_ =	shalt  }
0x4c: {  	_ =	shalt  }
0x4d: {  	_ =	shalt  }
0x4e: {  	_ =	shalt  }
0x4f: {  	_ =	shalt  }
0x50: {  	_ =	shalt  }
0x51: {  	_ =	shalt  }
0x52: {  	_ =	shalt  }
0x53: {  	_ =	shalt  }
0x54: {  	_ =	shalt  }
0x55: {  	_ =	shalt  }
0x56: {  	_ =	shalt  }
0x57: {  	_ =	shalt  }
0x58: {  	_ =	shalt  }
0x59: {  	_ =	shalt  }
0x5a: {  	_ =	shalt  }
0x5b: {  	_ =	shalt  }
0x5c: {  	_ =	shalt  }
0x5d: {  	_ =	shalt  }
0x5e: {  	_ =	shalt  }
0x5f: {  	_ =	shalt  }
0x60: {  	_ =	shalt  }
0x61: {  	_ =	shalt  }
0x62: {  	_ =	shalt  }
0x63: {  	_ =	shalt  }
0x64: {  	_ =	shalt  }
0x65: {  	_ =	shalt  }
0x66: {  	_ =	shalt  }
0x67: {  	_ =	shalt  }
0x68: {  	_ =	shalt  }
0x69: {  	_ =	shalt  }
0x6a: {  	_ =	shalt  }
0x6b: {  	_ =	shalt  }
0x6c: {  	_ =	shalt  }
0x6d: {  	_ =	shalt  }
0x6e: {  	_ =	shalt  }
0x6f: {  	_ =	shalt  }
0x70: {  	_ =	shalt  }
0x71: {  	_ =	shalt  }
0x72: {  	_ =	shalt  }
0x73: {  	_ =	shalt  }
0x74: {  	_ =	shalt  }
0x75: {  	_ =	shalt  }
0x76: {  	_ =	shalt  }
0x77: {  	_ =	shalt  }
0x78: {  	_ =	shalt  }
0x79: {  	_ =	shalt  }
0x7a: {  	_ =	shalt  }
0x7b: {  	_ =	shalt  }
0x7c: {  	_ =	shalt  }
0x7d: {  	_ =	shalt  }
0x7e: {  	_ =	shalt  }
0x7f: {  	_ =	shalt  }
0x80: {  	_ =	shalt  }
0x81: {  	_ =	shalt  }
0x82: {  	_ =	shalt  }
0x83: {  	_ =	shalt  }
0x84: {  	_ =	shalt  }
0x85: {  	_ =	shalt  }
0x86: {  	_ =	shalt  }
0x87: {  	_ =	shalt  }
.Lfunc_end0:
.L_simem_size_0:
called_computation_lowered:
.L_overlay_start_0:
0x88: {  	s2 =	sld [smem:$0x3FD9]  }
0x89: {  	s3 =	sld [smem:$0x3FFE];
	_ =	sdelay $0x1  }
0x8a: {  	s1 =	srdreg.scid  }
0x8b: {  	s0 =	sand.u32 $0x1, s1  }
0x8c: {  	s17 =	sshll.u32 s0, $0xA;
	s2 =	sadd.s32 s3, s2  }
0x8d: {  	s2 =	sadd.s32 s2, s17  }
0x8e: {  	[smem:$0x3FC6] =	sst s2  }
0x8f: {  	_ = 	snop  }
0x90: {  	s4 =	sld [smem:$0x3FC9]  }
0x91: {  	s18 =	sld [smem:$0x3FC8];
	(tm) =	ssettm $0x1  }
0x92: {  	s19 =	sld [smem:$0x3FFB];
	_ =	sdelay $0x3  }
0x93: {  	_ =	strace s19  }
0x94: {  	s2 =	sld [smem:$0x3FFC];
	_ =	sdelay $0x3  }
0x95: {  	_ =	strace s2  }
0x96: {  	s2 =	sld [smem:$0x3FFD];
	_ =	sdelay $0x3  }
0x97: {  	_ =	strace s2  }
0x98: {  	_ =	strace $0x8FFFFFFF  }
0x99: {  	s20 =	sld [smem:$0x3FDB];
	_ =	sdelay $0x1  }
0x9a: {  	s5 =	simm.s32 $_scs_section_size  }
0x9b: {  	s6 =	simm.s32 $_size__tile_overlayer_lowered;
	s7 =	simm.s32 $_tile_overlayer_lowered  }
0x9c: {  	s8 =	simm.s32 $0x1BFF;
	s21 =	sshll.u32 s7, $0x1;
	s5 =	sadd.s32 s5, s20  }
0x9d: {  	s22 =	simm.s32 $0x0;
	s6 =	sshll.u32 s6, $0x1;
	s7 =	sadd.s32 s21, s5  }
0x9e: {  	[timem:s22], [sflag:s8] =	dma.local [hbm:s7], s6  }
0x9f: {  	_ =	swait.ge [sflag:s8], s6  }
0xa0: {  	s6 =	ssub.s32 $0x0, s6;
	[sflag:s8] =	ssyncset.done $0x0  }
0xa1: {  	[sflag:s8] =	ssyncadd.s32 s6;
	_ =	sdelay $0x1  }
0xa2: {  	s23 =	simm.s32 $0x1B8B  }
0xa3: {  	_ =	swait.ge [sflag:s23], $0x1  }
0xa4: {  	[sflag:s23] =	ssyncset.done $0x0  }
0xa5: {  	[sflag:s23] =	ssyncadd.s32 $0xFFFFFFFF  }
0xa6: {  	s6 =	sld [smem:$0x0]  }
0xa7: {  	s7 =	sand.u32 $0xFFFFFFFE, s1  }
0xa8: {  	p0 =	sne.s32 s1, s7  }
0xa9: {  	s7 =	sshll.u32 @p0 s7, $0xE  }
0xaa: {  	s7 =	sadd.s32 @p0 $0x11B8D, s7;
	s8 =	sshll.u32 @p0 s6, $0x11  }
0xab: {  	s7 =	sor.u32 @p0 s8, s7  }
0xac: {  	[sflag:s7] =	ssyncadd.remote.s32 @p0 $0x1;
	_ =	sdelay $0x1  }
0xad: {  	s7 =	simm.s32 @p0 $0x1B8D  }
0xae: {  	_ =	swait.eq @p0 [sflag:s7], $0x1  }
0xaf: {  	[sflag:s7] =	ssyncadd.s32 @p0 $0xFFFFFFFF  }
0xb0: {  	s8 =	sshll.u32 @!p0 s1, $0xE  }
0xb1: {  	s8 =	sor.u32 @!p0 $0x4000, s8;
	s7 =	simm.s32 @!p0 $0x1B8D  }
0xb2: {  	s6 =	sshll.u32 @!p0 s6, $0x11;
	s8 =	sadd.s32 @!p0 $0x11B8D, s8;
	_ =	swait.eq @!p0 [sflag:s7], $0x1  }
0xb3: {  	s6 =	sor.u32 @!p0 s6, s8;
	[sflag:s7] =	ssyncadd.s32 @!p0 $0xFFFFFFFF  }
0xb4: {  	s25 =	simm.s32 $0x1B8E;
	s24 =	sld [smem:$0x3FFE];
	[sflag:s6] =	ssyncadd.remote.s32 @!p0 $0x1  }
0xb5: {  	s26 =	simm.s32 $execute0_lowered;
	[smem:$0x3FD2] =	sst s25  }
0xb6: {  	s7 =	sshll.u32 s26, $0x1;
	_ =	strace $0x80000049;
	[dreg:$0x1] =	wrdreg $0xFFFFFFFF  }
0xb7: {  	s28 =	simm.s32 $_size_execute0_lowered;
	s5 =	sadd.s32 s5, s7;
	[dreg:$0x0] =	wrdreg $0x0  }
0xb8: {  	s7 =	sshll.u32 s28, $0x1;
	[dreg:$0x2] =	wrdreg s5  }
0xb9: {  	[dreg:$0x3] =	wrdreg s7  }
0xba: {  	[dreg:$0x4] =	wrdreg $0xC0  }
0xbb: {  	_ =	task [dreg:s22], $0x5FFFF  }
0xbc: {  	[dreg:$0x1] =	wrdreg $0xFFFFFFFF  }
0xbd: {  	[dreg:$0x0] =	wrdreg $0x60  }
0xbe: {  	[dreg:$0x2] =	wrdreg s4  }
0xbf: {  	[dreg:$0x3] =	wrdreg s24  }
0xc0: {  	[dreg:$0x4] =	wrdreg s18  }
0xc1: {  	[dreg:$0x5] =	wrdreg $0x9  }
0xc2: {  	_ =	task.clear_ibuf [dreg:s22], $0x6FFFF;
	_ =	strace $0x90000049  }
0xc3: {  	s29 =	simm.s32 $0x9;
	_ =	strace $0x8000004B  }
0xc4: {  	_ =	swait.ge [sflag:s29], $0x1  }
0xc5: {  	[sflag:s29] =	ssyncadd.s32 $0xFFFFFFFF  }
0xc6: {  	_ =	strace $0x9000004B  }
0xc7: {  	_ =	sfence  }
0xc8: {  	s30 =	sld [smem:$0x0];
	_ =	sdelay $0x2  }
0xc9: {  	s31 =	sshll.u32 s1, $0xD;
	s1 =	sshrl.u32 s1, $0x2  }
0xca: {  	s4 =	sand.u32 $0x4000, s31;
	s1 =	sadd.s32 s1, s30  }
0xcb: {  	s0 =	sor.u32 s4, s0;
	s1 =	sshll.u32 s1, $0x11  }
0xcc: {  	s0 =	sor.u32 s1, s0  }
0xcd: {  	s0 =	sadd.s32 $0x8F2B, s0  }
0xce: {  	[sflag:s0] =	ssyncadd.remote.s32 $0x1  }
0xcf: {  	_ =	sfence.sel $0xFFFF  }
0xd0: {  	[dreg:$0x0] =	wrdreg $0xFFFFFFFF;
	(pc) =	sbr.abs _section_cstart, $3  }
0xd1: {  	[dreg:$0x1] =	wrdreg $0xFFFFFFFF  }
0xd2: {  	_ =	task.clear_ibuf [dreg:s22], $0x2FFFF;
	_ =	strace $0x9FFFFFFF  }
0xd3: {  	(tm) =	ssettm $0x7FFFFFFF  }
tec
execute0_lowered:
.L_overlay_start_1:
0x0: {  	(tag) =	ssettag $0x1  }
0x1: {  	s1 =	rddreg [dreg:$0x0]  }
0x2: {  	s16 =	rddreg [dreg:$0x1]  }
0x3: {  	s2 =	rddreg [dreg:$0x2];
	s3 =	simm.s32 $0x0  }
0x4: {  	v0 =	vimm.f32 $0.0e+00;
	[smem:$0x7FF] =	sst s3  }
0x5: {  	s0 =	rddreg [dreg:$0x3];
	_ =	strace $0x8000004A;
	[tilespmem:$0x620] =	vst v0  }
0x6: {  	[tilespmem:$0x630] =	vst v0  }
0x7: {  	[tilespmem:$0x640] =	vst v0  }
0x8: {  	[tilespmem:$0x650] =	vst v0  }
0x9: {  	[tilespmem:$0x660] =	vst v0  }
0xa: {  	[tilespmem:$0x670] =	vst v0  }
0xb: {  	[tilespmem:$0x680] =	vst v0  }
0xc: {  	[tilespmem:$0x690] =	vst v0  }
0xd: {  	[tilespmem:$0x6A0] =	vst v0  }
0xe: {  	[tilespmem:$0x6B0] =	vst v0  }
0xf: {  	[tilespmem:$0x6C0] =	vst v0  }
0x10: {  	[tilespmem:$0x6D0] =	vst v0  }
0x11: {  	[tilespmem:$0x6E0] =	vst v0  }
0x12: {  	[tilespmem:$0x6F0] =	vst v0  }
0x13: {  	[tilespmem:$0x700] =	vst v0  }
0x14: {  	[tilespmem:$0x710] =	vst v0  }
0x15: {  	[tilespmem:$0x720] =	vst v0  }
0x16: {  	[tilespmem:$0x730] =	vst v0  }
0x17: {  	[tilespmem:$0x600] =	vst v0  }
0x18: {  	[tilespmem:$0x870] =	vst v0  }
0x19: {  	[tilespmem:$0x860] =	vst v0  }
0x1a: {  	[tilespmem:$0x850] =	vst v0  }
0x1b: {  	[tilespmem:$0x840] =	vst v0  }
0x1c: {  	[tilespmem:$0x830] =	vst v0  }
0x1d: {  	[tilespmem:$0x820] =	vst v0  }
0x1e: {  	[tilespmem:$0x810] =	vst v0  }
0x1f: {  	[tilespmem:$0x800] =	vst v0  }
0x20: {  	[tilespmem:$0x7F0] =	vst v0  }
0x21: {  	[tilespmem:$0x7E0] =	vst v0  }
0x22: {  	[tilespmem:$0x7D0] =	vst v0  }
0x23: {  	[tilespmem:$0x7C0] =	vst v0  }
0x24: {  	[tilespmem:$0x7B0] =	vst v0  }
0x25: {  	[tilespmem:$0x7A0] =	vst v0  }
0x26: {  	s5 =	srdreg.scid;
	s4 =	stileid.u32;
	[tilespmem:$0x790] =	vst v0  }
0x27: {  	s18 =	sand.u32 $0x1, s5;
	s29 =	sshll.u32 s4, $0x1;
	[tilespmem:$0x780] =	vst v0  }
0x28: {  	s9 =	sor.u32 s18, s29;
	[tilespmem:$0x770] =	vst v0  }
0x29: {  	[tilespmem:$0x760] =	vst v0;
	s5 =	smul.u32 $0x60, s9  }
0x2a: {  	[tilespmem:$0x750] =	vst v0  }
0x2b: {  	[tilespmem:$0x740] =	vst v0;
	s15 =	sadd.s32 s5, s16  }
0x2c: {  	[tilespmem:$0x610] =	vst v0;
	s5 =	simm.s32 $0x2;
	s6 =	sadd.s32 $0x8000, s15  }
0x2d: {  	[tilespmem:s3], [sflag:$0x2] =	stream.linear.gather [hbm4b:s6+s3], $0x300, $0x38;
	[tilespmem:$0x880] =	vst v63  }
0x2e: {  	_ =	swait.ge [sflag:s5], $0x300  }
0x2f: {  	[sflag:s5] =	ssyncset.done $0x0  }
0x30: {  	s7 =	simm.s32 $0x300;
	s8 =	simm.s32 $0x1;
	[sflag:s5] =	ssyncadd.s32 $0xFFFFFD00  }
0x31: {  	[tilespmem:s7], [sflag:$0x1] =	stream.indirect.gather [hbm4b:s1+s7], $0x1, s3, s7, $0xb8;
	[tilespmem:$0x880] =	vst v63  }
0x32: {  	_ =	swait.ge [sflag:s8], $0x300  }
0x33: {  	s14 =	sadd.s32 $0x8C00, s16;
	s17 =	sshll.u32 s9, $0x8;
	[sflag:s8] =	ssyncset.done $0x0  }
0x34: {  	s9 =	sadd.s32 s14, s17;
	[sflag:s8] =	ssyncadd.s32 $0xFFFFFD00  }
0x35: {  	[hbm4b:s9+s3] =	stream.linear.scatter [tilespmem:s7], [sflag:$0x2], $0x180, $0x38;
	[tilespmem:$0x880] =	vst v63  }
0x36: {  	_ =	swait.ge [sflag:s5], $0x180  }
0x37: {  	s19 =	sor.u32 $0x30, s17;
	[sflag:s5] =	ssyncset.done $0x0  }
0x38: {  	s11 =	simm.s32 $0x600;
	s10 =	sadd.s32 s14, s19;
	[sflag:s5] =	ssyncadd.s32 $0xFFFFFE80  }
0x39: {  	[hbm4b:s10+s3] =	stream.linear.scatter [tilespmem:s11], [sflag:$0x2], $0x280, $0x38;
	[tilespmem:$0x880] =	vst v63  }
0x3a: {  	_ =	swait.ge [sflag:s5], $0x280  }
0x3b: {  	s20 =	sor.u32 $0x80, s17;
	[sflag:s5] =	ssyncset.done $0x0  }
0x3c: {  	s13 =	simm.s32 $0x480;
	s12 =	sadd.s32 s14, s20;
	[sflag:s5] =	ssyncadd.s32 $0xFFFFFD80  }
0x3d: {  	[hbm4b:s12+s3] =	stream.linear.scatter [tilespmem:s13], [sflag:$0x2], $0x180, $0x38;
	[tilespmem:$0x880] =	vst v63  }
0x3e: {  	_ =	swait.ge [sflag:s5], $0x180  }
0x3f: {  	s21 =	sor.u32 $0xB0, s17;
	[sflag:s5] =	ssyncset.done $0x0  }
0x40: {  	s14 =	sadd.s32 s14, s21;
	[sflag:s5] =	ssyncadd.s32 $0xFFFFFE80  }
0x41: {  	[hbm4b:s14+s3] =	stream.linear.scatter [tilespmem:s11], [sflag:$0x2], $0x280, $0x38;
	[tilespmem:$0x880] =	vst v63  }
0x42: {  	_ =	swait.ge [sflag:s5], $0x280  }
0x43: {  	[sflag:s5] =	ssyncset.done $0x0  }
0x44: {  	s15 =	sadd.s32 $0x7400, s15;
	[sflag:s5] =	ssyncadd.s32 $0xFFFFFD80  }
0x45: {  	[tilespmem:s3], [sflag:$0x2] =	stream.linear.gather [hbm4b:s15+s3], $0x300, $0x38;
	[tilespmem:$0x880] =	vst v63  }
0x46: {  	_ =	swait.ge [sflag:s5], $0x300  }
0x47: {  	[sflag:s5] =	ssyncset.done $0x0  }
0x48: {  	[sflag:s5] =	ssyncadd.s32 $0xFFFFFD00  }
0x49: {  	[tilespmem:s7], [sflag:$0x1] =	stream.indirect.gather [hbm4b:s2+s7], $0x1, s3, s7, $0xb8;
	[tilespmem:$0x880] =	vst v63  }
0x4a: {  	_ =	swait.ge [sflag:s8], $0x300  }
0x4b: {  	s22 =	sadd.s32 $0xAC00, s16;
	[sflag:s8] =	ssyncset.done $0x0  }
0x4c: {  	s16 =	sadd.s32 s22, s17;
	[sflag:s8] =	ssyncadd.s32 $0xFFFFFD00  }
0x4d: {  	[hbm4b:s16+s3] =	stream.linear.scatter [tilespmem:s7], [sflag:$0x2], $0x180, $0x38;
	[tilespmem:$0x880] =	vst v63  }
0x4e: {  	_ =	swait.ge [sflag:s5], $0x180  }
0x4f: {  	[sflag:s5] =	ssyncset.done $0x0  }
0x50: {  	s30 =	ssub.s32 $0x2, s18;
	s17 =	sadd.s32 s22, s19;
	[sflag:s5] =	ssyncadd.s32 $0xFFFFFE80  }
0x51: {  	[hbm4b:s17+s3] =	stream.linear.scatter [tilespmem:s11], [sflag:$0x2], $0x280, $0x38;
	[tilespmem:$0x880] =	vst v63  }
0x52: {  	s31 =	sshrl.u32 s30, $0x1;
	_ =	swait.ge [sflag:s5], $0x280  }
0x53: {  	s18 =	sadd.s32 s22, s20;
	s20 =	ssub.s32 s30, s31;
	[sflag:s5] =	ssyncset.done $0x0  }
0x54: {  	s20 =	smax.u32 s20, $0x1;
	[sflag:s5] =	ssyncadd.s32 $0xFFFFFD80  }
0x55: {  	[hbm4b:s18+s3] =	stream.linear.scatter [tilespmem:s13], [sflag:$0x2], $0x180, $0x38;
	[tilespmem:$0x880] =	vst v63  }
0x56: {  	p0 =	sne.s32 s20, $0x1;
	_ =	swait.ge [sflag:s5], $0x180  }
.Ltmp0:
0x57: {  	[sflag:s5] =	ssyncset.done $0x0;
	(pc) =	sbr.rel @!p0 .LBB2_2-.Ltmp0, $4  }
0x58: {  	s19 =	sadd.s32 s22, s21;
	[sflag:s5] =	ssyncadd.s32 $0xFFFFFE80  }
0x59: {  	[hbm4b:s19+s3] =	stream.linear.scatter [tilespmem:s11], [sflag:$0x2], $0x280, $0x38;
	[tilespmem:$0x880] =	vst v63  }
0x5a: {  	_ =	swait.ge [sflag:s5], $0x280  }
0x5b: {  	s20 =	sadd.s32 $0xFFFFFFFF, s20;
	[sflag:s5] =	ssyncset.done $0x0  }
.LBB2_1:
0x5c: {  	p0 =	sne.s32 s20, $0x1;
	s20 =	sadd.s32 $0xFFFFFFFF, s20;
	[sflag:s5] =	ssyncadd.s32 $0xFFFFFD80  }
0x5d: {  	[tilespmem:$0x620] =	vst v0  }
0x5e: {  	[tilespmem:$0x630] =	vst v0  }
0x5f: {  	[tilespmem:$0x640] =	vst v0  }
0x60: {  	[tilespmem:$0x650] =	vst v0  }
0x61: {  	[tilespmem:$0x660] =	vst v0  }
0x62: {  	[tilespmem:$0x670] =	vst v0  }
0x63: {  	[tilespmem:$0x680] =	vst v0  }
0x64: {  	[tilespmem:$0x690] =	vst v0  }
0x65: {  	[tilespmem:$0x6A0] =	vst v0  }
0x66: {  	[tilespmem:$0x6B0] =	vst v0  }
0x67: {  	[tilespmem:$0x6C0] =	vst v0  }
0x68: {  	[tilespmem:$0x6D0] =	vst v0  }
0x69: {  	[tilespmem:$0x6E0] =	vst v0  }
0x6a: {  	[tilespmem:$0x6F0] =	vst v0  }
0x6b: {  	[tilespmem:$0x700] =	vst v0  }
0x6c: {  	[tilespmem:$0x710] =	vst v0  }
0x6d: {  	[tilespmem:$0x720] =	vst v0  }
0x6e: {  	[tilespmem:$0x730] =	vst v0  }
0x6f: {  	[tilespmem:$0x600] =	vst v0  }
0x70: {  	[tilespmem:$0x870] =	vst v0  }
0x71: {  	[tilespmem:$0x860] =	vst v0  }
0x72: {  	[tilespmem:$0x850] =	vst v0  }
0x73: {  	[tilespmem:$0x840] =	vst v0  }
0x74: {  	[tilespmem:$0x830] =	vst v0  }
0x75: {  	[tilespmem:$0x820] =	vst v0  }
0x76: {  	[tilespmem:$0x810] =	vst v0  }
0x77: {  	[tilespmem:$0x800] =	vst v0  }
0x78: {  	[tilespmem:$0x7F0] =	vst v0  }
0x79: {  	[tilespmem:$0x7E0] =	vst v0  }
0x7a: {  	[tilespmem:$0x7D0] =	vst v0  }
0x7b: {  	[tilespmem:$0x7C0] =	vst v0  }
0x7c: {  	[tilespmem:$0x7B0] =	vst v0  }
0x7d: {  	[tilespmem:$0x7A0] =	vst v0  }
0x7e: {  	[tilespmem:$0x790] =	vst v0  }
0x7f: {  	[tilespmem:$0x780] =	vst v0  }
0x80: {  	[tilespmem:$0x770] =	vst v0  }
0x81: {  	[tilespmem:$0x760] =	vst v0  }
0x82: {  	[tilespmem:$0x750] =	vst v0  }
0x83: {  	[tilespmem:$0x740] =	vst v0  }
0x84: {  	[tilespmem:$0x610] =	vst v0  }
0x85: {  	[tilespmem:s3], [sflag:$0x2] =	stream.linear.gather [hbm4b:s6+s3], $0x300, $0x38;
	[tilespmem:$0x880] =	vst v63  }
0x86: {  	_ =	swait.ge [sflag:s5], $0x300  }
0x87: {  	[sflag:s5] =	ssyncset.done $0x0  }
0x88: {  	[sflag:s5] =	ssyncadd.s32 $0xFFFFFD00  }
0x89: {  	[tilespmem:s7], [sflag:$0x1] =	stream.indirect.gather [hbm4b:s1+s7], $0x1, s3, s7, $0xb8;
	[tilespmem:$0x880] =	vst v63  }
0x8a: {  	_ =	swait.ge [sflag:s8], $0x300  }
0x8b: {  	[sflag:s8] =	ssyncset.done $0x0  }
0x8c: {  	[sflag:s8] =	ssyncadd.s32 $0xFFFFFD00  }
0x8d: {  	[hbm4b:s9+s3] =	stream.linear.scatter [tilespmem:s7], [sflag:$0x2], $0x180, $0x38;
	[tilespmem:$0x880] =	vst v63  }
0x8e: {  	_ =	swait.ge [sflag:s5], $0x180  }
0x8f: {  	[sflag:s5] =	ssyncset.done $0x0  }
0x90: {  	[sflag:s5] =	ssyncadd.s32 $0xFFFFFE80  }
0x91: {  	[hbm4b:s10+s3] =	stream.linear.scatter [tilespmem:s11], [sflag:$0x2], $0x280, $0x38;
	[tilespmem:$0x880] =	vst v63  }
0x92: {  	_ =	swait.ge [sflag:s5], $0x280  }
0x93: {  	[sflag:s5] =	ssyncset.done $0x0  }
0x94: {  	[sflag:s5] =	ssyncadd.s32 $0xFFFFFD80  }
0x95: {  	[hbm4b:s12+s3] =	stream.linear.scatter [tilespmem:s13], [sflag:$0x2], $0x180, $0x38;
	[tilespmem:$0x880] =	vst v63  }
0x96: {  	_ =	swait.ge [sflag:s5], $0x180  }
0x97: {  	[sflag:s5] =	ssyncset.done $0x0  }
0x98: {  	[sflag:s5] =	ssyncadd.s32 $0xFFFFFE80  }
0x99: {  	[hbm4b:s14+s3] =	stream.linear.scatter [tilespmem:s11], [sflag:$0x2], $0x280, $0x38;
	[tilespmem:$0x880] =	vst v63  }
0x9a: {  	_ =	swait.ge [sflag:s5], $0x280  }
0x9b: {  	[sflag:s5] =	ssyncset.done $0x0  }
0x9c: {  	[sflag:s5] =	ssyncadd.s32 $0xFFFFFD80  }
0x9d: {  	[tilespmem:s3], [sflag:$0x2] =	stream.linear.gather [hbm4b:s15+s3], $0x300, $0x38;
	[tilespmem:$0x880] =	vst v63  }
0x9e: {  	_ =	swait.ge [sflag:s5], $0x300  }
0x9f: {  	[sflag:s5] =	ssyncset.done $0x0  }
0xa0: {  	[sflag:s5] =	ssyncadd.s32 $0xFFFFFD00  }
0xa1: {  	[tilespmem:s7], [sflag:$0x1] =	stream.indirect.gather [hbm4b:s2+s7], $0x1, s3, s7, $0xb8;
	[tilespmem:$0x880] =	vst v63  }
0xa2: {  	_ =	swait.ge [sflag:s8], $0x300  }
0xa3: {  	[sflag:s8] =	ssyncset.done $0x0  }
0xa4: {  	[sflag:s8] =	ssyncadd.s32 $0xFFFFFD00  }
0xa5: {  	[hbm4b:s16+s3] =	stream.linear.scatter [tilespmem:s7], [sflag:$0x2], $0x180, $0x38;
	[tilespmem:$0x880] =	vst v63  }
0xa6: {  	_ =	swait.ge [sflag:s5], $0x180  }
0xa7: {  	[sflag:s5] =	ssyncset.done $0x0  }
0xa8: {  	[sflag:s5] =	ssyncadd.s32 $0xFFFFFE80  }
0xa9: {  	[hbm4b:s17+s3] =	stream.linear.scatter [tilespmem:s11], [sflag:$0x2], $0x280, $0x38;
	[tilespmem:$0x880] =	vst v63  }
0xaa: {  	_ =	swait.ge [sflag:s5], $0x280  }
0xab: {  	[sflag:s5] =	ssyncset.done $0x0  }
0xac: {  	[sflag:s5] =	ssyncadd.s32 $0xFFFFFD80  }
0xad: {  	[hbm4b:s18+s3] =	stream.linear.scatter [tilespmem:s13], [sflag:$0x2], $0x180, $0x38;
	[tilespmem:$0x880] =	vst v63  }
0xae: {  	_ =	swait.ge [sflag:s5], $0x180  }
.Ltmp1:
0xaf: {  	[sflag:s5] =	ssyncset.done $0x0;
	(pc) =	sbr.rel @p0 .LBB2_1-.Ltmp1, $4  }
0xb0: {  	[sflag:s5] =	ssyncadd.s32 $0xFFFFFE80  }
0xb1: {  	[hbm4b:s19+s3] =	stream.linear.scatter [tilespmem:s11], [sflag:$0x2], $0x280, $0x38;
	[tilespmem:$0x880] =	vst v63  }
0xb2: {  	_ =	swait.ge [sflag:s5], $0x280  }
0xb3: {  	[sflag:s5] =	ssyncset.done $0x0  }
.LBB2_2:
0xb4: {  	[sflag:s5] =	ssyncadd.s32 $0xFFFFFD80  }
0xb5: {  	_ =	sfence.sel $0x180000  }
0xb6: {  	[bflag:$0x0] =	sbarrier.arrive $0xFFFF  }
0xb7: {  	p0 =	sne.s32 s4, $0x0;
	_ =	strace $0x9000004A  }
0xb8: {  	s0 =	sadd.s32 @!p0 $0x100000, s0;
	[bflag:$0x2] =	sbarrier.arrive $0xFFFF  }
0xb9: {  	[sflag:s0] =	ssyncadd.tile.s32 @!p0 $0x1;
	_ =	shalt  }
.Lfunc_end2:
_tile_overlayer_lowered:
.L_overlay_start_2:
0xba: {  	(tag) =	ssettag $0x2  }
0xbb: {  	s0 =	rddreg [dreg:$0x0];
	s2 =	stileid.u32  }
0xbc: {  	s1 =	rddreg [dreg:$0x1];
	p0 =	sne.s32 s2, $0x0  }
0xbd: {  	s3 =	rddreg [dreg:$0x2];
	[bflag:$0x3] =	sbarrier.arrive $0xFFFF;
	s2 =	simm.s32 @!p0 $0x1C02  }
0xbe: {  	[timem:s3], [sflag:s2] =	dma.local @!p0 [hbm:s0], s1  }
0xbf: {  	s0 =	simm.s32 @!p0 $0x2  }
0xc0: {  	_ =	swait.ge @!p0 [sflag:s0], s1  }
0xc1: {  	s1 =	ssub.s32 @!p0 $0x0, s1;
	[sflag:s0] =	ssyncset.done @!p0 $0x0  }
0xc2: {  	[sflag:s0] =	ssyncadd.s32 @!p0 s1  }
0xc3: {  	[bflag:$0x3] =	sbarrier.arrive $0xFFFF  }
0xc4: {  	_ =	shalt  }

// kernel: kernel.9.cloned.1.call-start
scs
__scs_entry_jumppad:
0x0: {  	(pc) =	sbr.rel $0x88, $3  }
0x1: {  	(tag) =	ssettag $0x0;
	lr =	simm.s32 $0x1  }
0x2: {  	[smem:$0x3F9F] =	sst lr;
	_ =	strace $0xD0000000  }
0x3: {  	_ = 	snop  }
0x4: {  	_ = 	snop  }
0x5: {  	_ = 	snop  }
0x6: {  	_ = 	snop  }
0x7: {  	_ = 	snop  }
__scs_overlays_trampoline_lowered:
0x8: {  	[smem:$0x3FAE] =	sst s0  }
0x9: {  	[smem:$0x3FAF] =	sst s1  }
0xa: {  	[smem:$0x3FB0] =	sst s2  }
0xb: {  	[smem:$0x3FB1] =	sst s3  }
0xc: {  	[smem:$0x3FB2] =	sst s4  }
0xd: {  	[smem:$0x3FB3] =	sst s5  }
0xe: {  	[smem:$0x3FB4] =	sst s6  }
0xf: {  	[smem:$0x3FB5] =	sst s7  }
0x10: {  	[smem:$0x3FB6] =	sst s8  }
0x11: {  	[smem:$0x3FB7] =	sst s9;
	s0 =	simm.s32 @!p0 $0x0  }
0x12: {  	s1 =	sld [smem:$0x3F9D];
	s0 =	simm.s32 @p0 $0x1  }
0x13: {  	[smem:$0x3FB8] =	sst s0;
	s0 =	simm.s32 @!p1 $0x0  }
0x14: {  	s2 =	sld [smem:$0x3F9C];
	s0 =	simm.s32 @p1 $0x1  }
0x15: {  	[smem:$0x3FB9] =	sst s0;
	s0 =	simm.s32 @!p2 $0x0  }
0x16: {  	s3 =	sld [smem:$0x3FDB];
	s0 =	simm.s32 @p2 $0x1  }
0x17: {  	s4 =	simm.s32 $0x1BF5;
	[smem:$0x3FBB] =	sst s0  }
0x18: {  	s0 =	sld [smem:$0x3F9E];
	_ =	swait.ge [sflag:s4], $0x0  }
0x19: {  	s7 =	sld [smem:$0x3F9F]  }
0x1a: {  	s8 =	sadd.s32 $0xFFFFE003, lr  }
0x1b: {  	s9 =	sadd.s32 $0xFFFFFEF7, lr;
	s5 =	simm.s32 $0xFFFFFFFF;
	p2 =	slt.u32 s8, $0xFFFFF086  }
0x1c: {  	p1 =	slt.u32 s9, $0xF7A;
	s5 =	simm.s32 @!p2 $0x0  }
0x1d: {  	s5 =	simm.s32 @p1 $0x1;
	p0 =	seq.s32 s7, s2  }
0x1e: {  	s7 =	smul.u32 @!p0 $0xF7A, s2;
	p2 =	seq.s32 @!p0 s5, $0x0  }
0x1f: {  	s9 =	smul.u32 $0xF7A, s1;
	s8 =	simm.s32 @!p0 $0x1BF5;
	p2 =	por !p2, p0  }
0x20: {  	[sflag:s8] =	ssyncset.s32 @!p0 $0xFFFFF086;
	s6 =	sadd.s32 @!p0 s3, s7;
	s7 =	simm.s32 @!p0 $0x108  }
0x21: {  	s3 =	sadd.s32 s3, s9;
	s6 =	sadd.s32 @!p0 $0x88, s6;
	s7 =	simm.s32 @p2 $0x1082  }
0x22: {  	[simem:s7], [sflag:s8] =	dma.local @!p0 [hbm:s6], $0xF7A  }
0x23: {  	s9 =	sor.u32 $0xD0000000, s2;
	s6 =	simm.s32 $0x108;
	_ =	swait.ge @!p0 [sflag:s8], $0x0  }
0x24: {  	s3 =	sadd.s32 $0x88, s3;
	s6 =	simm.s32 @!p1 $0x1082;
	[sflag:s4] =	ssyncset.s32 $0xFFFFF086  }
0x25: {  	[simem:s6], [sflag:s4] =	dma.local [hbm:s3], $0xF7A  }
0x26: {  	[smem:$0x3F9F] =	sst s1;
	(tag) =	ssettag s2;
	_ =	strace s9  }
0x27: {  	s1 =	sld [smem:$0x3FAF]  }
0x28: {  	s2 =	sld [smem:$0x3FB0]  }
0x29: {  	s4 =	sld [smem:$0x3FB2]  }
0x2a: {  	p0 =	seq.s32 s5, $0x0;
	s5 =	sld [smem:$0x3FB3]  }
0x2b: {  	s6 =	sld [smem:$0x3FB4]  }
0x2c: {  	s7 =	sld [smem:$0x3FB5]  }
0x2d: {  	s3 =	simm.s32 $0x108;
	s8 =	sld [smem:$0x3FB6]  }
0x2e: {  	s3 =	simm.s32 @!p0 $0x1082;
	s9 =	sld [smem:$0x3FB7]  }
0x2f: {  	lr =	sadd.s32 s0, s3;
	s0 =	sld [smem:$0x3FAE]  }
0x30: {  	s3 =	sld [smem:$0x3FB1]  }
0x31: {  	[smem:$0x3FBA] =	sst s10  }
0x32: {  	s10 =	sld [smem:$0x3FB8];
	_ =	sdelay $0x3  }
0x33: {  	p0 =	seq.s32 s10, $0x1;
	s10 =	sld [smem:$0x3FBA];
	_ =	sdelay $0x3  }
0x34: {  	[smem:$0x3FBA] =	sst s10  }
0x35: {  	s10 =	sld [smem:$0x3FB9];
	_ =	sdelay $0x3  }
0x36: {  	p1 =	seq.s32 s10, $0x1;
	s10 =	sld [smem:$0x3FBA];
	_ =	sdelay $0x3  }
0x37: {  	[smem:$0x3FBA] =	sst s10  }
0x38: {  	s10 =	sld [smem:$0x3FBB]  }
0x39: {  	_ = 	snop;
	(pc) =	sbr.ind lr, $3  }
0x3a: {  	_ = 	snop  }
0x3b: {  	_ = 	snop  }
0x3c: {  	p2 =	seq.s32 s10, $0x1;
	s10 =	sld [smem:$0x3FBA]  }
0x3d: {  	_ =	shalt  }
0x3e: {  	_ =	shalt  }
0x3f: {  	_ =	shalt  }
0x40: {  	_ =	shalt  }
0x41: {  	_ =	shalt  }
0x42: {  	_ =	shalt  }
0x43: {  	_ =	shalt  }
0x44: {  	_ =	shalt  }
0x45: {  	_ =	shalt  }
0x46: {  	_ =	shalt  }
0x47: {  	_ =	shalt  }
0x48: {  	_ =	shalt  }
0x49: {  	_ =	shalt  }
0x4a: {  	_ =	shalt  }
0x4b: {  	_ =	shalt  }
0x4c: {  	_ =	shalt  }
0x4d: {  	_ =	shalt  }
0x4e: {  	_ =	shalt  }
0x4f: {  	_ =	shalt  }
0x50: {  	_ =	shalt  }
0x51: {  	_ =	shalt  }
0x52: {  	_ =	shalt  }
0x53: {  	_ =	shalt  }
0x54: {  	_ =	shalt  }
0x55: {  	_ =	shalt  }
0x56: {  	_ =	shalt  }
0x57: {  	_ =	shalt  }
0x58: {  	_ =	shalt  }
0x59: {  	_ =	shalt  }
0x5a: {  	_ =	shalt  }
0x5b: {  	_ =	shalt  }
0x5c: {  	_ =	shalt  }
0x5d: {  	_ =	shalt  }
0x5e: {  	_ =	shalt  }
0x5f: {  	_ =	shalt  }
0x60: {  	_ =	shalt  }
0x61: {  	_ =	shalt  }
0x62: {  	_ =	shalt  }
0x63: {  	_ =	shalt  }
0x64: {  	_ =	shalt  }
0x65: {  	_ =	shalt  }
0x66: {  	_ =	shalt  }
0x67: {  	_ =	shalt  }
0x68: {  	_ =	shalt  }
0x69: {  	_ =	shalt  }
0x6a: {  	_ =	shalt  }
0x6b: {  	_ =	shalt  }
0x6c: {  	_ =	shalt  }
0x6d: {  	_ =	shalt  }
0x6e: {  	_ =	shalt  }
0x6f: {  	_ =	shalt  }
0x70: {  	_ =	shalt  }
0x71: {  	_ =	shalt  }
0x72: {  	_ =	shalt  }
0x73: {  	_ =	shalt  }
0x74: {  	_ =	shalt  }
0x75: {  	_ =	shalt  }
0x76: {  	_ =	shalt  }
0x77: {  	_ =	shalt  }
0x78: {  	_ =	shalt  }
0x79: {  	_ =	shalt  }
0x7a: {  	_ =	shalt  }
0x7b: {  	_ =	shalt  }
0x7c: {  	_ =	shalt  }
0x7d: {  	_ =	shalt  }
0x7e: {  	_ =	shalt  }
0x7f: {  	_ =	shalt  }
0x80: {  	_ =	shalt  }
0x81: {  	_ =	shalt  }
0x82: {  	_ =	shalt  }
0x83: {  	_ =	shalt  }
0x84: {  	_ =	shalt  }
0x85: {  	_ =	shalt  }
0x86: {  	_ =	shalt  }
0x87: {  	_ =	shalt  }
.Lfunc_end0:
.L_simem_size_0:
called_computation.1_lowered:
.L_overlay_start_0:
0x88: {  	s2 =	sld [smem:$0x3FD9]  }
0x89: {  	s3 =	sld [smem:$0x3FFE];
	_ =	sdelay $0x1  }
0x8a: {  	s1 =	srdreg.scid  }
0x8b: {  	s0 =	sand.u32 $0x1, s1  }
0x8c: {  	s17 =	sshll.u32 s0, $0xA;
	s2 =	sadd.s32 s3, s2  }
0x8d: {  	s2 =	sadd.s32 s2, s17  }
0x8e: {  	[smem:$0x3FC6] =	sst s2  }
0x8f: {  	_ = 	snop  }
0x90: {  	s2 =	sld [smem:$0x3FC9]  }
0x91: {  	s18 =	sld [smem:$0x3FC8];
	(tm) =	ssettm $0x1  }
0x92: {  	s4 =	sld [smem:$0x3FFB];
	_ =	sdelay $0x3  }
0x93: {  	_ =	strace s4  }
0x94: {  	s4 =	sld [smem:$0x3FFC];
	_ =	sdelay $0x3  }
0x95: {  	_ =	strace s4  }
0x96: {  	s4 =	sld [smem:$0x3FFD];
	_ =	sdelay $0x3  }
0x97: {  	_ =	strace s4  }
0x98: {  	_ =	strace $0x8FFFFFFF  }
0x99: {  	s19 =	sld [smem:$0x3FDB];
	_ =	sdelay $0x1  }
0x9a: {  	s5 =	simm.s32 $_scs_section_size  }
0x9b: {  	s6 =	simm.s32 $_size__tile_overlayer_lowered;
	s7 =	simm.s32 $_tile_overlayer_lowered  }
0x9c: {  	s22 =	simm.s32 $0x1BFF;
	s21 =	sshll.u32 s7, $0x1;
	s4 =	sadd.s32 s5, s19  }
0x9d: {  	s8 =	simm.s32 $0x0;
	s20 =	sshll.u32 s6, $0x1;
	s6 =	sadd.s32 s21, s4  }
0x9e: {  	[timem:s8], [sflag:s22] =	dma.local [hbm:s6], s20  }
0x9f: {  	_ =	swait.ge [sflag:s22], s20  }
0xa0: {  	s5 =	ssub.s32 $0x0, s20;
	[sflag:s22] =	ssyncset.done $0x0  }
0xa1: {  	[sflag:s22] =	ssyncadd.s32 s5;
	_ =	sdelay $0x1  }
0xa2: {  	s23 =	simm.s32 $0x1B8B  }
0xa3: {  	_ =	swait.ge [sflag:s23], $0x1  }
0xa4: {  	[sflag:s23] =	ssyncset.done $0x0  }
0xa5: {  	s25 =	simm.s32 $0x1B8E;
	s24 =	sld [smem:$0x3FFE];
	[sflag:s23] =	ssyncadd.s32 $0xFFFFFFFF  }
0xa6: {  	s26 =	simm.s32 $execute0_lowered;
	[smem:$0x3FD2] =	sst s25  }
0xa7: {  	s6 =	sshll.u32 s26, $0x1;
	_ =	strace $0x80000046;
	[dreg:$0x1] =	wrdreg $0xFFFFFFFF  }
0xa8: {  	s28 =	simm.s32 $_size_execute0_lowered;
	s4 =	sadd.s32 s4, s6;
	[dreg:$0x0] =	wrdreg $0x0  }
0xa9: {  	s6 =	sshll.u32 s28, $0x1;
	[dreg:$0x2] =	wrdreg s4  }
0xaa: {  	[dreg:$0x3] =	wrdreg s6  }
0xab: {  	[dreg:$0x4] =	wrdreg $0xC0  }
0xac: {  	_ =	task [dreg:s8], $0x5FFFF  }
0xad: {  	[dreg:$0x1] =	wrdreg $0xFFFFFFFF  }
0xae: {  	[dreg:$0x0] =	wrdreg $0x60  }
0xaf: {  	[dreg:$0x2] =	wrdreg s2  }
0xb0: {  	[dreg:$0x3] =	wrdreg s24  }
0xb1: {  	[dreg:$0x4] =	wrdreg s18  }
0xb2: {  	[dreg:$0x5] =	wrdreg $0xA  }
0xb3: {  	_ =	task.clear_ibuf [dreg:s8], $0x6FFFF;
	_ =	strace $0x90000046  }
0xb4: {  	s29 =	simm.s32 $0xA;
	_ =	strace $0x80000048  }
0xb5: {  	_ =	swait.ge [sflag:s29], $0x1  }
0xb6: {  	[sflag:s29] =	ssyncadd.s32 $0xFFFFFFFF  }
0xb7: {  	_ =	strace $0x90000048  }
0xb8: {  	_ =	sfence  }
0xb9: {  	s30 =	sld [smem:$0x0];
	_ =	sdelay $0x2  }
0xba: {  	s31 =	sshll.u32 s1, $0xD;
	s1 =	sshrl.u32 s1, $0x2  }
0xbb: {  	s3 =	sand.u32 $0x4000, s31;
	s1 =	sadd.s32 s1, s30  }
0xbc: {  	s0 =	sor.u32 s3, s0;
	s1 =	sshll.u32 s1, $0x11  }
0xbd: {  	s0 =	sor.u32 s1, s0  }
0xbe: {  	s0 =	sadd.s32 $0x8F2B, s0  }
0xbf: {  	[sflag:s0] =	ssyncadd.remote.s32 $0x1  }
0xc0: {  	_ =	sfence.sel $0xFFFF  }
0xc1: {  	[dreg:$0x0] =	wrdreg $0xFFFFFFFF;
	(pc) =	sbr.abs _section_cstart, $3  }
0xc2: {  	[dreg:$0x1] =	wrdreg $0xFFFFFFFF  }
0xc3: {  	_ =	task.clear_ibuf [dreg:s8], $0x2FFFF;
	_ =	strace $0x9FFFFFFF  }
0xc4: {  	(tm) =	ssettm $0x7FFFFFFF  }
0xc5: {  	_ =	shalt  }
tec
execute0_lowered:
.L_overlay_start_1:
0x0: {  	(tag) =	ssettag $0x1  }
0x1: {  	s1 =	rddreg [dreg:$0x0]  }
0x2: {  	s16 =	rddreg [dreg:$0x1]  }
0x3: {  	s2 =	rddreg [dreg:$0x2];
	s3 =	simm.s32 $0x0  }
0x4: {  	v0 =	vimm.f32 $0.0e+00;
	[smem:$0x7FF] =	sst s3  }
0x5: {  	s0 =	rddreg [dreg:$0x3];
	_ =	strace $0x80000047;
	[tilespmem:$0x620] =	vst v0  }
0x6: {  	[tilespmem:$0x630] =	vst v0  }
0x7: {  	[tilespmem:$0x640] =	vst v0  }
0x8: {  	[tilespmem:$0x650] =	vst v0  }
0x9: {  	[tilespmem:$0x660] =	vst v0  }
0xa: {  	[tilespmem:$0x670] =	vst v0  }
0xb: {  	[tilespmem:$0x680] =	vst v0  }
0xc: {  	[tilespmem:$0x690] =	vst v0  }
0xd: {  	[tilespmem:$0x6A0] =	vst v0  }
0xe: {  	[tilespmem:$0x6B0] =	vst v0  }
0xf: {  	[tilespmem:$0x6C0] =	vst v0  }
0x10: {  	[tilespmem:$0x6D0] =	vst v0  }
0x11: {  	[tilespmem:$0x6E0] =	vst v0  }
0x12: {  	[tilespmem:$0x6F0] =	vst v0  }
0x13: {  	[tilespmem:$0x700] =	vst v0  }
0x14: {  	[tilespmem:$0x710] =	vst v0  }
0x15: {  	[tilespmem:$0x720] =	vst v0  }
0x16: {  	[tilespmem:$0x730] =	vst v0  }
0x17: {  	[tilespmem:$0x600] =	vst v0  }
0x18: {  	[tilespmem:$0x870] =	vst v0  }
0x19: {  	[tilespmem:$0x860] =	vst v0  }
0x1a: {  	[tilespmem:$0x850] =	vst v0  }
0x1b: {  	[tilespmem:$0x840] =	vst v0  }
0x1c: {  	[tilespmem:$0x830] =	vst v0  }
0x1d: {  	[tilespmem:$0x820] =	vst v0  }
0x1e: {  	[tilespmem:$0x810] =	vst v0  }
0x1f: {  	[tilespmem:$0x800] =	vst v0  }
0x20: {  	[tilespmem:$0x7F0] =	vst v0  }
0x21: {  	[tilespmem:$0x7E0] =	vst v0  }
0x22: {  	[tilespmem:$0x7D0] =	vst v0  }
0x23: {  	[tilespmem:$0x7C0] =	vst v0  }
0x24: {  	[tilespmem:$0x7B0] =	vst v0  }
0x25: {  	[tilespmem:$0x7A0] =	vst v0  }
0x26: {  	s5 =	srdreg.scid;
	s4 =	stileid.u32;
	[tilespmem:$0x790] =	vst v0  }
0x27: {  	s18 =	sand.u32 $0x1, s5;
	s29 =	sshll.u32 s4, $0x1;
	[tilespmem:$0x780] =	vst v0  }
0x28: {  	s9 =	sor.u32 s18, s29;
	[tilespmem:$0x770] =	vst v0  }
0x29: {  	[tilespmem:$0x760] =	vst v0;
	s5 =	smul.u32 $0x60, s9  }
0x2a: {  	[tilespmem:$0x750] =	vst v0  }
0x2b: {  	[tilespmem:$0x740] =	vst v0;
	s15 =	sadd.s32 s5, s16  }
0x2c: {  	[tilespmem:$0x610] =	vst v0;
	s5 =	simm.s32 $0x2;
	s6 =	sadd.s32 $0x2800, s15  }
0x2d: {  	[tilespmem:s3], [sflag:$0x2] =	stream.linear.gather [hbm4b:s6+s3], $0x300, $0x38;
	[tilespmem:$0x880] =	vst v63  }
0x2e: {  	_ =	swait.ge [sflag:s5], $0x300  }
0x2f: {  	[sflag:s5] =	ssyncset.done $0x0  }
0x30: {  	s7 =	simm.s32 $0x300;
	s8 =	simm.s32 $0x1;
	[sflag:s5] =	ssyncadd.s32 $0xFFFFFD00  }
0x31: {  	[tilespmem:s7], [sflag:$0x1] =	stream.indirect.gather [hbm4b:s1+s7], $0x1, s3, s7, $0xb8;
	[tilespmem:$0x880] =	vst v63  }
0x32: {  	_ =	swait.ge [sflag:s8], $0x300  }
0x33: {  	s14 =	sadd.s32 $0x3400, s16;
	s17 =	sshll.u32 s9, $0x8;
	[sflag:s8] =	ssyncset.done $0x0  }
0x34: {  	s9 =	sadd.s32 s14, s17;
	[sflag:s8] =	ssyncadd.s32 $0xFFFFFD00  }
0x35: {  	[hbm4b:s9+s3] =	stream.linear.scatter [tilespmem:s7], [sflag:$0x2], $0x180, $0x38;
	[tilespmem:$0x880] =	vst v63  }
0x36: {  	_ =	swait.ge [sflag:s5], $0x180  }
0x37: {  	s19 =	sor.u32 $0x30, s17;
	[sflag:s5] =	ssyncset.done $0x0  }
0x38: {  	s11 =	simm.s32 $0x600;
	s10 =	sadd.s32 s14, s19;
	[sflag:s5] =	ssyncadd.s32 $0xFFFFFE80  }
0x39: {  	[hbm4b:s10+s3] =	stream.linear.scatter [tilespmem:s11], [sflag:$0x2], $0x280, $0x38;
	[tilespmem:$0x880] =	vst v63  }
0x3a: {  	_ =	swait.ge [sflag:s5], $0x280  }
0x3b: {  	s20 =	sor.u32 $0x80, s17;
	[sflag:s5] =	ssyncset.done $0x0  }
0x3c: {  	s13 =	simm.s32 $0x480;
	s12 =	sadd.s32 s14, s20;
	[sflag:s5] =	ssyncadd.s32 $0xFFFFFD80  }
0x3d: {  	[hbm4b:s12+s3] =	stream.linear.scatter [tilespmem:s13], [sflag:$0x2], $0x180, $0x38;
	[tilespmem:$0x880] =	vst v63  }
0x3e: {  	_ =	swait.ge [sflag:s5], $0x180  }
0x3f: {  	s21 =	sor.u32 $0xB0, s17;
	[sflag:s5] =	ssyncset.done $0x0  }
0x40: {  	s14 =	sadd.s32 s14, s21;
	[sflag:s5] =	ssyncadd.s32 $0xFFFFFE80  }
0x41: {  	[hbm4b:s14+s3] =	stream.linear.scatter [tilespmem:s11], [sflag:$0x2], $0x280, $0x38;
	[tilespmem:$0x880] =	vst v63  }
0x42: {  	_ =	swait.ge [sflag:s5], $0x280  }
0x43: {  	[sflag:s5] =	ssyncset.done $0x0  }
0x44: {  	s15 =	sadd.s32 $0x1C00, s15;
	[sflag:s5] =	ssyncadd.s32 $0xFFFFFD80  }
0x45: {  	[tilespmem:s3], [sflag:$0x2] =	stream.linear.gather [hbm4b:s15+s3], $0x300, $0x38;
	[tilespmem:$0x880] =	vst v63  }
0x46: {  	_ =	swait.ge [sflag:s5], $0x300  }
0x47: {  	[sflag:s5] =	ssyncset.done $0x0  }
0x48: {  	[sflag:s5] =	ssyncadd.s32 $0xFFFFFD00  }
0x49: {  	[tilespmem:s7], [sflag:$0x1] =	stream.indirect.gather [hbm4b:s2+s7], $0x1, s3, s7, $0xb8;
	[tilespmem:$0x880] =	vst v63  }
0x4a: {  	_ =	swait.ge [sflag:s8], $0x300  }
0x4b: {  	s22 =	sadd.s32 $0x5400, s16;
	[sflag:s8] =	ssyncset.done $0x0  }
0x4c: {  	s16 =	sadd.s32 s22, s17;
	[sflag:s8] =	ssyncadd.s32 $0xFFFFFD00  }
0x4d: {  	[hbm4b:s16+s3] =	stream.linear.scatter [tilespmem:s7], [sflag:$0x2], $0x180, $0x38;
	[tilespmem:$0x880] =	vst v63  }
0x4e: {  	_ =	swait.ge [sflag:s5], $0x180  }
0x4f: {  	[sflag:s5] =	ssyncset.done $0x0  }
0x50: {  	s30 =	ssub.s32 $0x2, s18;
	s17 =	sadd.s32 s22, s19;
	[sflag:s5] =	ssyncadd.s32 $0xFFFFFE80  }
0x51: {  	[hbm4b:s17+s3] =	stream.linear.scatter [tilespmem:s11], [sflag:$0x2], $0x280, $0x38;
	[tilespmem:$0x880] =	vst v63  }
0x52: {  	s31 =	sshrl.u32 s30, $0x1;
	_ =	swait.ge [sflag:s5], $0x280  }
0x53: {  	s18 =	sadd.s32 s22, s20;
	s20 =	ssub.s32 s30, s31;
	[sflag:s5] =	ssyncset.done $0x0  }
0x54: {  	s20 =	smax.u32 s20, $0x1;
	[sflag:s5] =	ssyncadd.s32 $0xFFFFFD80  }
0x55: {  	[hbm4b:s18+s3] =	stream.linear.scatter [tilespmem:s13], [sflag:$0x2], $0x180, $0x38;
	[tilespmem:$0x880] =	vst v63  }
0x56: {  	p0 =	sne.s32 s20, $0x1;
	_ =	swait.ge [sflag:s5], $0x180  }
.Ltmp0:
0x57: {  	[sflag:s5] =	ssyncset.done $0x0;
	(pc) =	sbr.rel @!p0 .LBB2_2-.Ltmp0, $4  }
0x58: {  	s19 =	sadd.s32 s22, s21;
	[sflag:s5] =	ssyncadd.s32 $0xFFFFFE80  }
0x59: {  	[hbm4b:s19+s3] =	stream.linear.scatter [tilespmem:s11], [sflag:$0x2], $0x280, $0x38;
	[tilespmem:$0x880] =	vst v63  }
0x5a: {  	_ =	swait.ge [sflag:s5], $0x280  }
0x5b: {  	s20 =	sadd.s32 $0xFFFFFFFF, s20;
	[sflag:s5] =	ssyncset.done $0x0  }
.LBB2_1:
0x5c: {  	p0 =	sne.s32 s20, $0x1;
	s20 =	sadd.s32 $0xFFFFFFFF, s20;
	[sflag:s5] =	ssyncadd.s32 $0xFFFFFD80  }
0x5d: {  	[tilespmem:$0x620] =	vst v0  }
0x5e: {  	[tilespmem:$0x630] =	vst v0  }
0x5f: {  	[tilespmem:$0x640] =	vst v0  }
0x60: {  	[tilespmem:$0x650] =	vst v0  }
0x61: {  	[tilespmem:$0x660] =	vst v0  }
0x62: {  	[tilespmem:$0x670] =	vst v0  }
0x63: {  	[tilespmem:$0x680] =	vst v0  }
0x64: {  	[tilespmem:$0x690] =	vst v0  }
0x65: {  	[tilespmem:$0x6A0] =	vst v0  }
0x66: {  	[tilespmem:$0x6B0] =	vst v0  }
0x67: {  	[tilespmem:$0x6C0] =	vst v0  }
0x68: {  	[tilespmem:$0x6D0] =	vst v0  }
0x69: {  	[tilespmem:$0x6E0] =	vst v0  }
0x6a: {  	[tilespmem:$0x6F0] =	vst v0  }
0x6b: {  	[tilespmem:$0x700] =	vst v0  }
0x6c: {  	[tilespmem:$0x710] =	vst v0  }
0x6d: {  	[tilespmem:$0x720] =	vst v0  }
0x6e: {  	[tilespmem:$0x730] =	vst v0  }
0x6f: {  	[tilespmem:$0x600] =	vst v0  }
0x70: {  	[tilespmem:$0x870] =	vst v0  }
0x71: {  	[tilespmem:$0x860] =	vst v0  }
0x72: {  	[tilespmem:$0x850] =	vst v0  }
0x73: {  	[tilespmem:$0x840] =	vst v0  }
0x74: {  	[tilespmem:$0x830] =	vst v0  }
0x75: {  	[tilespmem:$0x820] =	vst v0  }
0x76: {  	[tilespmem:$0x810] =	vst v0  }
0x77: {  	[tilespmem:$0x800] =	vst v0  }
0x78: {  	[tilespmem:$0x7F0] =	vst v0  }
0x79: {  	[tilespmem:$0x7E0] =	vst v0  }
0x7a: {  	[tilespmem:$0x7D0] =	vst v0  }
0x7b: {  	[tilespmem:$0x7C0] =	vst v0  }
0x7c: {  	[tilespmem:$0x7B0] =	vst v0  }
0x7d: {  	[tilespmem:$0x7A0] =	vst v0  }
0x7e: {  	[tilespmem:$0x790] =	vst v0  }
0x7f: {  	[tilespmem:$0x780] =	vst v0  }
0x80: {  	[tilespmem:$0x770] =	vst v0  }
0x81: {  	[tilespmem:$0x760] =	vst v0  }
0x82: {  	[tilespmem:$0x750] =	vst v0  }
0x83: {  	[tilespmem:$0x740] =	vst v0  }
0x84: {  	[tilespmem:$0x610] =	vst v0  }
0x85: {  	[tilespmem:s3], [sflag:$0x2] =	stream.linear.gather [hbm4b:s6+s3], $0x300, $0x38;
	[tilespmem:$0x880] =	vst v63  }
0x86: {  	_ =	swait.ge [sflag:s5], $0x300  }
0x87: {  	[sflag:s5] =	ssyncset.done $0x0  }
0x88: {  	[sflag:s5] =	ssyncadd.s32 $0xFFFFFD00  }
0x89: {  	[tilespmem:s7], [sflag:$0x1] =	stream.indirect.gather [hbm4b:s1+s7], $0x1, s3, s7, $0xb8;
	[tilespmem:$0x880] =	vst v63  }
0x8a: {  	_ =	swait.ge [sflag:s8], $0x300  }
0x8b: {  	[sflag:s8] =	ssyncset.done $0x0  }
0x8c: {  	[sflag:s8] =	ssyncadd.s32 $0xFFFFFD00  }
0x8d: {  	[hbm4b:s9+s3] =	stream.linear.scatter [tilespmem:s7], [sflag:$0x2], $0x180, $0x38;
	[tilespmem:$0x880] =	vst v63  }
0x8e: {  	_ =	swait.ge [sflag:s5], $0x180  }
0x8f: {  	[sflag:s5] =	ssyncset.done $0x0  }
0x90: {  	[sflag:s5] =	ssyncadd.s32 $0xFFFFFE80  }
0x91: {  	[hbm4b:s10+s3] =	stream.linear.scatter [tilespmem:s11], [sflag:$0x2], $0x280, $0x38;
	[tilespmem:$0x880] =	vst v63  }
0x92: {  	_ =	swait.ge [sflag:s5], $0x280  }
0x93: {  	[sflag:s5] =	ssyncset.done $0x0  }
0x94: {  	[sflag:s5] =	ssyncadd.s32 $0xFFFFFD80  }
0x95: {  	[hbm4b:s12+s3] =	stream.linear.scatter [tilespmem:s13], [sflag:$0x2], $0x180, $0x38;
	[tilespmem:$0x880] =	vst v63  }
0x96: {  	_ =	swait.ge [sflag:s5], $0x180  }
0x97: {  	[sflag:s5] =	ssyncset.done $0x0  }
0x98: {  	[sflag:s5] =	ssyncadd.s32 $0xFFFFFE80  }
0x99: {  	[hbm4b:s14+s3] =	stream.linear.scatter [tilespmem:s11], [sflag:$0x2], $0x280, $0x38;
	[tilespmem:$0x880] =	vst v63  }
0x9a: {  	_ =	swait.ge [sflag:s5], $0x280  }
0x9b: {  	[sflag:s5] =	ssyncset.done $0x0  }
0x9c: {  	[sflag:s5] =	ssyncadd.s32 $0xFFFFFD80  }
0x9d: {  	[tilespmem:s3], [sflag:$0x2] =	stream.linear.gather [hbm4b:s15+s3], $0x300, $0x38;
	[tilespmem:$0x880] =	vst v63  }
0x9e: {  	_ =	swait.ge [sflag:s5], $0x300  }
0x9f: {  	[sflag:s5] =	ssyncset.done $0x0  }
0xa0: {  	[sflag:s5] =	ssyncadd.s32 $0xFFFFFD00  }
0xa1: {  	[tilespmem:s7], [sflag:$0x1] =	stream.indirect.gather [hbm4b:s2+s7], $0x1, s3, s7, $0xb8;
	[tilespmem:$0x880] =	vst v63  }
0xa2: {  	_ =	swait.ge [sflag:s8], $0x300  }
0xa3: {  	[sflag:s8] =	ssyncset.done $0x0  }
0xa4: {  	[sflag:s8] =	ssyncadd.s32 $0xFFFFFD00  }
0xa5: {  	[hbm4b:s16+s3] =	stream.linear.scatter [tilespmem:s7], [sflag:$0x2], $0x180, $0x38;
	[tilespmem:$0x880] =	vst v63  }
0xa6: {  	_ =	swait.ge [sflag:s5], $0x180  }
0xa7: {  	[sflag:s5] =	ssyncset.done $0x0  }
0xa8: {  	[sflag:s5] =	ssyncadd.s32 $0xFFFFFE80  }
0xa9: {  	[hbm4b:s17+s3] =	stream.linear.scatter [tilespmem:s11], [sflag:$0x2], $0x280, $0x38;
	[tilespmem:$0x880] =	vst v63  }
0xaa: {  	_ =	swait.ge [sflag:s5], $0x280  }
0xab: {  	[sflag:s5] =	ssyncset.done $0x0  }
0xac: {  	[sflag:s5] =	ssyncadd.s32 $0xFFFFFD80  }
0xad: {  	[hbm4b:s18+s3] =	stream.linear.scatter [tilespmem:s13], [sflag:$0x2], $0x180, $0x38;
	[tilespmem:$0x880] =	vst v63  }
0xae: {  	_ =	swait.ge [sflag:s5], $0x180  }
.Ltmp1:
0xaf: {  	[sflag:s5] =	ssyncset.done $0x0;
	(pc) =	sbr.rel @p0 .LBB2_1-.Ltmp1, $4  }
0xb0: {  	[sflag:s5] =	ssyncadd.s32 $0xFFFFFE80  }
0xb1: {  	[hbm4b:s19+s3] =	stream.linear.scatter [tilespmem:s11], [sflag:$0x2], $0x280, $0x38;
	[tilespmem:$0x880] =	vst v63  }
0xb2: {  	_ =	swait.ge [sflag:s5], $0x280  }
0xb3: {  	[sflag:s5] =	ssyncset.done $0x0  }
.LBB2_2:
0xb4: {  	[sflag:s5] =	ssyncadd.s32 $0xFFFFFD80  }
0xb5: {  	_ =	sfence.sel $0x180000  }
0xb6: {  	[bflag:$0x0] =	sbarrier.arrive $0xFFFF  }
0xb7: {  	p0 =	sne.s32 s4, $0x0;
	_ =	strace $0x90000047  }
0xb8: {  	s0 =	sadd.s32 @!p0 $0x100000, s0;
	[bflag:$0x2] =	sbarrier.arrive $0xFFFF  }
0xb9: {  	[sflag:s0] =	ssyncadd.tile.s32 @!p0 $0x1;
	_ =	shalt  }
.Lfunc_end2:
_tile_overlayer_lowered:
.L_overlay_start_2:
0xba: {  	(tag) =	ssettag $0x2  }
0xbb: {  	s0 =	rddreg [dreg:$0x0];
	s2 =	stileid.u32  }
0xbc: {  	s1 =	rddreg [dreg:$0x1];
	p0 =	sne.s32 s2, $0x0  }
0xbd: {  	s3 =	rddreg [dreg:$0x2];
	[bflag:$0x3] =	sbarrier.arrive $0xFFFF;
	s2 =	simm.s32 @!p0 $0x1C02  }
0xbe: {  	[timem:s3], [sflag:s2] =	dma.local @!p0 [hbm:s0], s1  }
0xbf: {  	s0 =	simm.s32 @!p0 $0x2  }
0xc0: {  	_ =	swait.ge @!p0 [sflag:s0], s1  }
0xc1: {  	s1 =	ssub.s32 @!p0 $0x0, s1;
	[sflag:s0] =	ssyncset.done @!p0 $0x0  }
0xc2: {  	[sflag:s0] =	ssyncadd.s32 @!p0 s1  }
0xc3: {  	[bflag:$0x3] =	sbarrier.arrive $0xFFFF  }
0xc4: {  	_ =	shalt  }

</sc_bundles>
